<compile_context>
chip_gen: v7x
topology: tpu7x:2x2x1
jax: 0.10.2.dev20260603
libtpu: 0.0.44.dev20260713+nightly
codegen_flags: <defaults>
</compile_context>

<pallas_src>
import functools

import jax
import jax.numpy as jnp
from jax import lax
from jax.experimental import pallas as pl
from jax.experimental.pallas import tpu as pltpu, tpu_sc as plsc

B = 4 * 8192
D = 4096
NC, NS = 2, 16
NW = NC * NS
BPW = B // NW
L = 16
G = BPW // L


def _encoder_body(x_hbm, w_hbm, out_hbm, idx_v, w_v, drain_v, wsem):
    wid = lax.axis_index("s") * NC + lax.axis_index("c")
    base = wid * BPW

    pltpu.sync_copy(x_hbm.at[pl.ds(base, BPW)], idx_v)
    pltpu.sync_copy(w_hbm, w_v)

    def group(g, carry):
        a = idx_v[pl.ds(g * L, L)]
        row = base + g * L
        for l in range(L):
            pltpu.async_copy(w_v.at[a[l]], out_hbm.at[row + l], wsem)

        @pl.when(g >= 1)
        def _():
            pltpu.make_async_copy(
                out_hbm.at[pl.ds(base, L)], drain_v, wsem
            ).wait()

        return carry

    lax.fori_loop(0, G, group, 0, unroll=False)

    pltpu.make_async_copy(out_hbm.at[pl.ds(base, L)], drain_v, wsem).wait()


@functools.partial(jax.jit, static_argnames=())
def kernel(x, emb_weight):
    mesh = plsc.VectorSubcoreMesh(core_axis_name="c", subcore_axis_name="s")
    run = pl.kernel(
        _encoder_body,
        out_type=jax.ShapeDtypeStruct((B, D), jnp.float32),
        mesh=mesh,
        scratch_types=[
            pltpu.VMEM((BPW,), jnp.int32),
            pltpu.VMEM((2, D), jnp.float32),
            pltpu.VMEM((L, D), jnp.float32),
            pltpu.SemaphoreType.DMA,
        ],
    )
    out = run(x.reshape(B).astype(jnp.int32), emb_weight)
    return out.reshape(x.shape + (D,))

# --- scband reference (transcript-rebuilt; emitter-appended) ---
"""Pipeline reference for scband-encoder-26379689132284 (READ-ONLY COPY).

The authoritative reference and input builder live on the scoring server;
editing this copy changes nothing except your own understanding.
"""

import jax, jax.numpy as jnp
import numpy as np

n_vocab = 2
dim_model = 4096

def setup_inputs(seed: int = 0) -> dict:
    key = jax.random.key(seed)
    k1, k2 = jax.random.split(key)
    x = jax.random.randint(k1, (4, 8192), 0, n_vocab, dtype=jnp.int64 if jax.config.jax_enable_x64 else jnp.int32)
    emb_weight = jax.random.normal(k2, (n_vocab, dim_model), dtype=jnp.float32) * 0.001
    return {"x": x, "emb_weight": emb_weight}

def reference(x, emb_weight):
    # Faithful translation of nn.Embedding forward: gather rows of the table by index
    return jnp.take(emb_weight, x, axis=0)

if __name__ == "__main__":
    import jax
    _d = setup_inputs()
    print(jax.jit(kernel)(*tuple(_d.values())))

</pallas_src>

<mosaic_0001>
#map = affine_map<(d0, d1) -> (0)>
#map1 = affine_map<(d0, d1) -> (0, 0)>
module attributes {stable_mosaic.version = 14 : i64} {
  func.func @_encoder_body(%arg0: i32, %arg1: i32, %arg2: memref<32768xi32, #tpu.memory_space<hbm>>, %arg3: memref<2x4096xf32, #tpu.memory_space<hbm>>, %arg4: memref<32768x4096xf32, #tpu.memory_space<hbm>>, %arg5: memref<1024xi32, #tpu.memory_space<vmem>>, %arg6: memref<2x4096xf32, #tpu.memory_space<vmem>>, %arg7: memref<16x4096xf32, #tpu.memory_space<vmem>>, %arg8: memref<!tpu.dma_semaphore, #tpu.memory_space<semaphore_mem>>) attributes {dimension_semantics = [#tpu.dimension_semantics<core_parallel>, #tpu.dimension_semantics<subcore_parallel>], iteration_bounds = array<i64: 2, 16>, scalar_prefetch = 0 : i64, scratch_operands = 4 : i64, tpu.core_type = #tpu.core_type<sc_vector_subcore>, window_params = [{transform_indices = #map}, {transform_indices = #map1}, {transform_indices = #map1}]} {
    %mul3A = arith.constant 2 : i32
    %mul3A_0 = arith.muli %arg1, %mul3A : i32
    %add3A = arith.addi %mul3A_0, %arg0 : i32
    %mul3A_1 = arith.constant 1024 : i32
    %mul3A_2 = arith.muli %add3A, %mul3A_1 : i32
    "tpu.region"() ({
      %run_scoped3A = tpu.sem_alloc : memref<!tpu.dma_semaphore, #tpu.memory_space<semaphore_mem>>
      %dma_start3A = tpu.memref_slice %arg2[%mul3A_2] : memref<32768xi32, #tpu.memory_space<hbm>> -> memref<1024xi32, #tpu.memory_space<hbm>>
      %dma_start3A_11 = tpu.memref_slice %arg2[%mul3A_2] : memref<32768xi32, #tpu.memory_space<hbm>> -> memref<1024xi32, #tpu.memory_space<hbm>>
      tpu.enqueue_dma source(%dma_start3A_11 : memref<1024xi32, #tpu.memory_space<hbm>>) target(%arg5 : memref<1024xi32, #tpu.memory_space<vmem>>) target_semaphore(%run_scoped3A : memref<!tpu.dma_semaphore, #tpu.memory_space<semaphore_mem>>)
      %dma_wait3A_12 = tpu.memref_slice %arg2[%mul3A_2] : memref<32768xi32, #tpu.memory_space<hbm>> -> memref<1024xi32, #tpu.memory_space<hbm>>
      %dma_wait3A_13 = tpu.memref_slice %arg2[%mul3A_2] : memref<32768xi32, #tpu.memory_space<hbm>> -> memref<1024xi32, #tpu.memory_space<hbm>>
      tpu.wait_dma2 semaphore(%run_scoped3A : memref<!tpu.dma_semaphore, #tpu.memory_space<semaphore_mem>>) src(%dma_wait3A_13 : memref<1024xi32, #tpu.memory_space<hbm>>) dst(%arg5 : memref<1024xi32, #tpu.memory_space<vmem>>)
      tpu.yield
    }) : () -> ()
    "tpu.region"() ({
      %run_scoped3A = tpu.sem_alloc : memref<!tpu.dma_semaphore, #tpu.memory_space<semaphore_mem>>
      tpu.enqueue_dma source(%arg3 : memref<2x4096xf32, #tpu.memory_space<hbm>>) target(%arg6 : memref<2x4096xf32, #tpu.memory_space<vmem>>) target_semaphore(%run_scoped3A : memref<!tpu.dma_semaphore, #tpu.memory_space<semaphore_mem>>)
      tpu.wait_dma2 semaphore(%run_scoped3A : memref<!tpu.dma_semaphore, #tpu.memory_space<semaphore_mem>>) src(%arg3 : memref<2x4096xf32, #tpu.memory_space<hbm>>) dst(%arg6 : memref<2x4096xf32, #tpu.memory_space<vmem>>)
      tpu.yield
    }) : () -> ()
    %scan3A = arith.constant 0 : i32
    %scan3A_3 = arith.constant 0 : i32
    %scan3A_4 = arith.constant 64 : i32
    %scan3A_5 = arith.addi %scan3A_3, %scan3A_4 : i32
    %scan3A_6 = arith.constant 1 : i32
    scf.for %scan3A_11 = %scan3A_3 to %scan3A_5 step %scan3A_6  : i32 {
      %mul3A_12 = arith.constant 16 : i32
      %mul3A_13 = arith.muli %scan3A_11, %mul3A_12 : i32
      %get3A = arith.index_cast %mul3A_13 : i32 to index
      %get3A_14 = tpu.vector_load %arg5[%get3A] {strides = array<i32>} : memref<1024xi32, #tpu.memory_space<vmem>>, vector<16xi32>,
      %get3A_15 = vector.shape_cast %get3A_14 : vector<16xi32> to vector<16xi32>
      %mul3A_16 = arith.constant 16 : i32
      %mul3A_17 = arith.muli %scan3A_11, %mul3A_16 : i32
      %add3A_18 = arith.addi %mul3A_2, %mul3A_17 : i32
      %slice3A = vector.extract_strided_slice %get3A_15 {offsets = [0], sizes = [1], strides = [1]} : vector<16xi32> to vector<1xi32>
      %squeeze3A = vector.extract %slice3A[0] : i32 from vector<1xi32>
      %add3A_19 = arith.constant 0 : i32
      %add3A_20 = arith.addi %add3A_18, %add3A_19 : i32
      %dma_start3A = arith.constant 0 : i32
      %dma_start3A_21 = tpu.memref_slice %arg6[%squeeze3A, %dma_start3A] : memref<2x4096xf32, #tpu.memory_space<vmem>> -> memref<1x4096xf32, #tpu.memory_space<vmem>>
      %dma_start3A_22 = tpu.memref_squeeze %dma_start3A_21 : memref<1x4096xf32, #tpu.memory_space<vmem>> -> memref<4096xf32, #tpu.memory_space<vmem>>
      %dma_start3A_23 = arith.constant 0 : i32
      %dma_start3A_24 = tpu.memref_slice %arg4[%add3A_20, %dma_start3A_23] : memref<32768x4096xf32, #tpu.memory_space<hbm>> -> memref<1x4096xf32, #tpu.memory_space<hbm>>
      %dma_start3A_25 = tpu.memref_squeeze %dma_start3A_24 : memref<1x4096xf32, #tpu.memory_space<hbm>> -> memref<4096xf32, #tpu.memory_space<hbm>>
      %dma_start3A_26 = arith.constant 0 : i32
      %dma_start3A_27 = tpu.memref_slice %arg4[%add3A_20, %dma_start3A_26] : memref<32768x4096xf32, #tpu.memory_space<hbm>> -> memref<1x4096xf32, #tpu.memory_space<hbm>>
      %dma_start3A_28 = tpu.memref_squeeze %dma_start3A_27 : memref<1x4096xf32, #tpu.memory_space<hbm>> -> memref<4096xf32, #tpu.memory_space<hbm>>
      %dma_start3A_29 = arith.constant 0 : i32
      %dma_start3A_30 = tpu.memref_slice %arg6[%squeeze3A, %dma_start3A_29] : memref<2x4096xf32, #tpu.memory_space<vmem>> -> memref<1x4096xf32, #tpu.memory_space<vmem>>
      %dma_start3A_31 = tpu.memref_squeeze %dma_start3A_30 : memref<1x4096xf32, #tpu.memory_space<vmem>> -> memref<4096xf32, #tpu.memory_space<vmem>>
      tpu.enqueue_dma source(%dma_start3A_31 : memref<4096xf32, #tpu.memory_space<vmem>>) target(%dma_start3A_28 : memref<4096xf32, #tpu.memory_space<hbm>>) target_semaphore(%arg8 : memref<!tpu.dma_semaphore, #tpu.memory_space<semaphore_mem>>)
      %slice3A_32 = vector.extract_strided_slice %get3A_15 {offsets = [1], sizes = [1], strides = [1]} : vector<16xi32> to vector<1xi32>
      %squeeze3A_33 = vector.extract %slice3A_32[0] : i32 from vector<1xi32>
      %add3A_34 = arith.constant 1 : i32
      %add3A_35 = arith.addi %add3A_18, %add3A_34 : i32
      %dma_start3A_36 = arith.constant 0 : i32
      %dma_start3A_37 = tpu.memref_slice %arg6[%squeeze3A_33, %dma_start3A_36] : memref<2x4096xf32, #tpu.memory_space<vmem>> -> memref<1x4096xf32, #tpu.memory_space<vmem>>
      %dma_start3A_38 = tpu.memref_squeeze %dma_start3A_37 : memref<1x4096xf32, #tpu.memory_space<vmem>> -> memref<4096xf32, #tpu.memory_space<vmem>>
      %dma_start3A_39 = arith.constant 0 : i32
      %dma_start3A_40 = tpu.memref_slice %arg4[%add3A_35, %dma_start3A_39] : memref<32768x4096xf32, #tpu.memory_space<hbm>> -> memref<1x4096xf32, #tpu.memory_space<hbm>>
      %dma_start3A_41 = tpu.memref_squeeze %dma_start3A_40 : memref<1x4096xf32, #tpu.memory_space<hbm>> -> memref<4096xf32, #tpu.memory_space<hbm>>
      %dma_start3A_42 = arith.constant 0 : i32
      %dma_start3A_43 = tpu.memref_slice %arg4[%add3A_35, %dma_start3A_42] : memref<32768x4096xf32, #tpu.memory_space<hbm>> -> memref<1x4096xf32, #tpu.memory_space<hbm>>
      %dma_start3A_44 = tpu.memref_squeeze %dma_start3A_43 : memref<1x4096xf32, #tpu.memory_space<hbm>> -> memref<4096xf32, #tpu.memory_space<hbm>>
      %dma_start3A_45 = arith.constant 0 : i32
      %dma_start3A_46 = tpu.memref_slice %arg6[%squeeze3A_33, %dma_start3A_45] : memref<2x4096xf32, #tpu.memory_space<vmem>> -> memref<1x4096xf32, #tpu.memory_space<vmem>>
      %dma_start3A_47 = tpu.memref_squeeze %dma_start3A_46 : memref<1x4096xf32, #tpu.memory_space<vmem>> -> memref<4096xf32, #tpu.memory_space<vmem>>
      tpu.enqueue_dma source(%dma_start3A_47 : memref<4096xf32, #tpu.memory_space<vmem>>) target(%dma_start3A_44 : memref<4096xf32, #tpu.memory_space<hbm>>) target_semaphore(%arg8 : memref<!tpu.dma_semaphore, #tpu.memory_space<semaphore_mem>>)
      %slice3A_48 = vector.extract_strided_slice %get3A_15 {offsets = [2], sizes = [1], strides = [1]} : vector<16xi32> to vector<1xi32>
      %squeeze3A_49 = vector.extract %slice3A_48[0] : i32 from vector<1xi32>
      %add3A_50 = arith.constant 2 : i32
      %add3A_51 = arith.addi %add3A_18, %add3A_50 : i32
      %dma_start3A_52 = arith.constant 0 : i32
      %dma_start3A_53 = tpu.memref_slice %arg6[%squeeze3A_49, %dma_start3A_52] : memref<2x4096xf32, #tpu.memory_space<vmem>> -> memref<1x4096xf32, #tpu.memory_space<vmem>>
      %dma_start3A_54 = tpu.memref_squeeze %dma_start3A_53 : memref<1x4096xf32, #tpu.memory_space<vmem>> -> memref<4096xf32, #tpu.memory_space<vmem>>
      %dma_start3A_55 = arith.constant 0 : i32
      %dma_start3A_56 = tpu.memref_slice %arg4[%add3A_51, %dma_start3A_55] : memref<32768x4096xf32, #tpu.memory_space<hbm>> -> memref<1x4096xf32, #tpu.memory_space<hbm>>
      %dma_start3A_57 = tpu.memref_squeeze %dma_start3A_56 : memref<1x4096xf32, #tpu.memory_space<hbm>> -> memref<4096xf32, #tpu.memory_space<hbm>>
      %dma_start3A_58 = arith.constant 0 : i32
      %dma_start3A_59 = tpu.memref_slice %arg4[%add3A_51, %dma_start3A_58] : memref<32768x4096xf32, #tpu.memory_space<hbm>> -> memref<1x4096xf32, #tpu.memory_space<hbm>>
      %dma_start3A_60 = tpu.memref_squeeze %dma_start3A_59 : memref<1x4096xf32, #tpu.memory_space<hbm>> -> memref<4096xf32, #tpu.memory_space<hbm>>
      %dma_start3A_61 = arith.constant 0 : i32
      %dma_start3A_62 = tpu.memref_slice %arg6[%squeeze3A_49, %dma_start3A_61] : memref<2x4096xf32, #tpu.memory_space<vmem>> -> memref<1x4096xf32, #tpu.memory_space<vmem>>
      %dma_start3A_63 = tpu.memref_squeeze %dma_start3A_62 : memref<1x4096xf32, #tpu.memory_space<vmem>> -> memref<4096xf32, #tpu.memory_space<vmem>>
      tpu.enqueue_dma source(%dma_start3A_63 : memref<4096xf32, #tpu.memory_space<vmem>>) target(%dma_start3A_60 : memref<4096xf32, #tpu.memory_space<hbm>>) target_semaphore(%arg8 : memref<!tpu.dma_semaphore, #tpu.memory_space<semaphore_mem>>)
      %slice3A_64 = vector.extract_strided_slice %get3A_15 {offsets = [3], sizes = [1], strides = [1]} : vector<16xi32> to vector<1xi32>
      %squeeze3A_65 = vector.extract %slice3A_64[0] : i32 from vector<1xi32>
      %add3A_66 = arith.constant 3 : i32
      %add3A_67 = arith.addi %add3A_18, %add3A_66 : i32
      %dma_start3A_68 = arith.constant 0 : i32
      %dma_start3A_69 = tpu.memref_slice %arg6[%squeeze3A_65, %dma_start3A_68] : memref<2x4096xf32, #tpu.memory_space<vmem>> -> memref<1x4096xf32, #tpu.memory_space<vmem>>
      %dma_start3A_70 = tpu.memref_squeeze %dma_start3A_69 : memref<1x4096xf32, #tpu.memory_space<vmem>> -> memref<4096xf32, #tpu.memory_space<vmem>>
      %dma_start3A_71 = arith.constant 0 : i32
      %dma_start3A_72 = tpu.memref_slice %arg4[%add3A_67, %dma_start3A_71] : memref<32768x4096xf32, #tpu.memory_space<hbm>> -> memref<1x4096xf32, #tpu.memory_space<hbm>>
      %dma_start3A_73 = tpu.memref_squeeze %dma_start3A_72 : memref<1x4096xf32, #tpu.memory_space<hbm>> -> memref<4096xf32, #tpu.memory_space<hbm>>
      %dma_start3A_74 = arith.constant 0 : i32
      %dma_start3A_75 = tpu.memref_slice %arg4[%add3A_67, %dma_start3A_74] : memref<32768x4096xf32, #tpu.memory_space<hbm>> -> memref<1x4096xf32, #tpu.memory_space<hbm>>
      %dma_start3A_76 = tpu.memref_squeeze %dma_start3A_75 : memref<1x4096xf32, #tpu.memory_space<hbm>> -> memref<4096xf32, #tpu.memory_space<hbm>>
      %dma_start3A_77 = arith.constant 0 : i32
      %dma_start3A_78 = tpu.memref_slice %arg6[%squeeze3A_65, %dma_start3A_77] : memref<2x4096xf32, #tpu.memory_space<vmem>> -> memref<1x4096xf32, #tpu.memory_space<vmem>>
      %dma_start3A_79 = tpu.memref_squeeze %dma_start3A_78 : memref<1x4096xf32, #tpu.memory_space<vmem>> -> memref<4096xf32, #tpu.memory_space<vmem>>
      tpu.enqueue_dma source(%dma_start3A_79 : memref<4096xf32, #tpu.memory_space<vmem>>) target(%dma_start3A_76 : memref<4096xf32, #tpu.memory_space<hbm>>) target_semaphore(%arg8 : memref<!tpu.dma_semaphore, #tpu.memory_space<semaphore_mem>>)
      %slice3A_80 = vector.extract_strided_slice %get3A_15 {offsets = [4], sizes = [1], strides = [1]} : vector<16xi32> to vector<1xi32>
      %squeeze3A_81 = vector.extract %slice3A_80[0] : i32 from vector<1xi32>
      %add3A_82 = arith.constant 4 : i32
      %add3A_83 = arith.addi %add3A_18, %add3A_82 : i32
      %dma_start3A_84 = arith.constant 0 : i32
      %dma_start3A_85 = tpu.memref_slice %arg6[%squeeze3A_81, %dma_start3A_84] : memref<2x4096xf32, #tpu.memory_space<vmem>> -> memref<1x4096xf32, #tpu.memory_space<vmem>>
      %dma_start3A_86 = tpu.memref_squeeze %dma_start3A_85 : memref<1x4096xf32, #tpu.memory_space<vmem>> -> memref<4096xf32, #tpu.memory_space<vmem>>
      %dma_start3A_87 = arith.constant 0 : i32
      %dma_start3A_88 = tpu.memref_slice %arg4[%add3A_83, %dma_start3A_87] : memref<32768x4096xf32, #tpu.memory_space<hbm>> -> memref<1x4096xf32, #tpu.memory_space<hbm>>
      %dma_start3A_89 = tpu.memref_squeeze %dma_start3A_88 : memref<1x4096xf32, #tpu.memory_space<hbm>> -> memref<4096xf32, #tpu.memory_space<hbm>>
      %dma_start3A_90 = arith.constant 0 : i32
      %dma_start3A_91 = tpu.memref_slice %arg4[%add3A_83, %dma_start3A_90] : memref<32768x4096xf32, #tpu.memory_space<hbm>> -> memref<1x4096xf32, #tpu.memory_space<hbm>>
      %dma_start3A_92 = tpu.memref_squeeze %dma_start3A_91 : memref<1x4096xf32, #tpu.memory_space<hbm>> -> memref<4096xf32, #tpu.memory_space<hbm>>
      %dma_start3A_93 = arith.constant 0 : i32
      %dma_start3A_94 = tpu.memref_slice %arg6[%squeeze3A_81, %dma_start3A_93] : memref<2x4096xf32, #tpu.memory_space<vmem>> -> memref<1x4096xf32, #tpu.memory_space<vmem>>
      %dma_start3A_95 = tpu.memref_squeeze %dma_start3A_94 : memref<1x4096xf32, #tpu.memory_space<vmem>> -> memref<4096xf32, #tpu.memory_space<vmem>>
      tpu.enqueue_dma source(%dma_start3A_95 : memref<4096xf32, #tpu.memory_space<vmem>>) target(%dma_start3A_92 : memref<4096xf32, #tpu.memory_space<hbm>>) target_semaphore(%arg8 : memref<!tpu.dma_semaphore, #tpu.memory_space<semaphore_mem>>)
      %slice3A_96 = vector.extract_strided_slice %get3A_15 {offsets = [5], sizes = [1], strides = [1]} : vector<16xi32> to vector<1xi32>
      %squeeze3A_97 = vector.extract %slice3A_96[0] : i32 from vector<1xi32>
      %add3A_98 = arith.constant 5 : i32
      %add3A_99 = arith.addi %add3A_18, %add3A_98 : i32
      %dma_start3A_100 = arith.constant 0 : i32
      %dma_start3A_101 = tpu.memref_slice %arg6[%squeeze3A_97, %dma_start3A_100] : memref<2x4096xf32, #tpu.memory_space<vmem>> -> memref<1x4096xf32, #tpu.memory_space<vmem>>
      %dma_start3A_102 = tpu.memref_squeeze %dma_start3A_101 : memref<1x4096xf32, #tpu.memory_space<vmem>> -> memref<4096xf32, #tpu.memory_space<vmem>>
      %dma_start3A_103 = arith.constant 0 : i32
      %dma_start3A_104 = tpu.memref_slice %arg4[%add3A_99, %dma_start3A_103] : memref<32768x4096xf32, #tpu.memory_space<hbm>> -> memref<1x4096xf32, #tpu.memory_space<hbm>>
      %dma_start3A_105 = tpu.memref_squeeze %dma_start3A_104 : memref<1x4096xf32, #tpu.memory_space<hbm>> -> memref<4096xf32, #tpu.memory_space<hbm>>
      %dma_start3A_106 = arith.constant 0 : i32
      %dma_start3A_107 = tpu.memref_slice %arg4[%add3A_99, %dma_start3A_106] : memref<32768x4096xf32, #tpu.memory_space<hbm>> -> memref<1x4096xf32, #tpu.memory_space<hbm>>
      %dma_start3A_108 = tpu.memref_squeeze %dma_start3A_107 : memref<1x4096xf32, #tpu.memory_space<hbm>> -> memref<4096xf32, #tpu.memory_space<hbm>>
      %dma_start3A_109 = arith.constant 0 : i32
      %dma_start3A_110 = tpu.memref_slice %arg6[%squeeze3A_97, %dma_start3A_109] : memref<2x4096xf32, #tpu.memory_space<vmem>> -> memref<1x4096xf32, #tpu.memory_space<vmem>>
      %dma_start3A_111 = tpu.memref_squeeze %dma_start3A_110 : memref<1x4096xf32, #tpu.memory_space<vmem>> -> memref<4096xf32, #tpu.memory_space<vmem>>
      tpu.enqueue_dma source(%dma_start3A_111 : memref<4096xf32, #tpu.memory_space<vmem>>) target(%dma_start3A_108 : memref<4096xf32, #tpu.memory_space<hbm>>) target_semaphore(%arg8 : memref<!tpu.dma_semaphore, #tpu.memory_space<semaphore_mem>>)
      %slice3A_112 = vector.extract_strided_slice %get3A_15 {offsets = [6], sizes = [1], strides = [1]} : vector<16xi32> to vector<1xi32>
      %squeeze3A_113 = vector.extract %slice3A_112[0] : i32 from vector<1xi32>
      %add3A_114 = arith.constant 6 : i32
      %add3A_115 = arith.addi %add3A_18, %add3A_114 : i32
      %dma_start3A_116 = arith.constant 0 : i32
      %dma_start3A_117 = tpu.memref_slice %arg6[%squeeze3A_113, %dma_start3A_116] : memref<2x4096xf32, #tpu.memory_space<vmem>> -> memref<1x4096xf32, #tpu.memory_space<vmem>>
      %dma_start3A_118 = tpu.memref_squeeze %dma_start3A_117 : memref<1x4096xf32, #tpu.memory_space<vmem>> -> memref<4096xf32, #tpu.memory_space<vmem>>
      %dma_start3A_119 = arith.constant 0 : i32
      %dma_start3A_120 = tpu.memref_slice %arg4[%add3A_115, %dma_start3A_119] : memref<32768x4096xf32, #tpu.memory_space<hbm>> -> memref<1x4096xf32, #tpu.memory_space<hbm>>
      %dma_start3A_121 = tpu.memref_squeeze %dma_start3A_120 : memref<1x4096xf32, #tpu.memory_space<hbm>> -> memref<4096xf32, #tpu.memory_space<hbm>>
      %dma_start3A_122 = arith.constant 0 : i32
      %dma_start3A_123 = tpu.memref_slice %arg4[%add3A_115, %dma_start3A_122] : memref<32768x4096xf32, #tpu.memory_space<hbm>> -> memref<1x4096xf32, #tpu.memory_space<hbm>>
      %dma_start3A_124 = tpu.memref_squeeze %dma_start3A_123 : memref<1x4096xf32, #tpu.memory_space<hbm>> -> memref<4096xf32, #tpu.memory_space<hbm>>
      %dma_start3A_125 = arith.constant 0 : i32
      %dma_start3A_126 = tpu.memref_slice %arg6[%squeeze3A_113, %dma_start3A_125] : memref<2x4096xf32, #tpu.memory_space<vmem>> -> memref<1x4096xf32, #tpu.memory_space<vmem>>
      %dma_start3A_127 = tpu.memref_squeeze %dma_start3A_126 : memref<1x4096xf32, #tpu.memory_space<vmem>> -> memref<4096xf32, #tpu.memory_space<vmem>>
      tpu.enqueue_dma source(%dma_start3A_127 : memref<4096xf32, #tpu.memory_space<vmem>>) target(%dma_start3A_124 : memref<4096xf32, #tpu.memory_space<hbm>>) target_semaphore(%arg8 : memref<!tpu.dma_semaphore, #tpu.memory_space<semaphore_mem>>)
      %slice3A_128 = vector.extract_strided_slice %get3A_15 {offsets = [7], sizes = [1], strides = [1]} : vector<16xi32> to vector<1xi32>
      %squeeze3A_129 = vector.extract %slice3A_128[0] : i32 from vector<1xi32>
      %add3A_130 = arith.constant 7 : i32
      %add3A_131 = arith.addi %add3A_18, %add3A_130 : i32
      %dma_start3A_132 = arith.constant 0 : i32
      %dma_start3A_133 = tpu.memref_slice %arg6[%squeeze3A_129, %dma_start3A_132] : memref<2x4096xf32, #tpu.memory_space<vmem>> -> memref<1x4096xf32, #tpu.memory_space<vmem>>
      %dma_start3A_134 = tpu.memref_squeeze %dma_start3A_133 : memref<1x4096xf32, #tpu.memory_space<vmem>> -> memref<4096xf32, #tpu.memory_space<vmem>>
      %dma_start3A_135 = arith.constant 0 : i32
      %dma_start3A_136 = tpu.memref_slice %arg4[%add3A_131, %dma_start3A_135] : memref<32768x4096xf32, #tpu.memory_space<hbm>> -> memref<1x4096xf32, #tpu.memory_space<hbm>>
      %dma_start3A_137 = tpu.memref_squeeze %dma_start3A_136 : memref<1x4096xf32, #tpu.memory_space<hbm>> -> memref<4096xf32, #tpu.memory_space<hbm>>
      %dma_start3A_138 = arith.constant 0 : i32
      %dma_start3A_139 = tpu.memref_slice %arg4[%add3A_131, %dma_start3A_138] : memref<32768x4096xf32, #tpu.memory_space<hbm>> -> memref<1x4096xf32, #tpu.memory_space<hbm>>
      %dma_start3A_140 = tpu.memref_squeeze %dma_start3A_139 : memref<1x4096xf32, #tpu.memory_space<hbm>> -> memref<4096xf32, #tpu.memory_space<hbm>>
      %dma_start3A_141 = arith.constant 0 : i32
      %dma_start3A_142 = tpu.memref_slice %arg6[%squeeze3A_129, %dma_start3A_141] : memref<2x4096xf32, #tpu.memory_space<vmem>> -> memref<1x4096xf32, #tpu.memory_space<vmem>>
      %dma_start3A_143 = tpu.memref_squeeze %dma_start3A_142 : memref<1x4096xf32, #tpu.memory_space<vmem>> -> memref<4096xf32, #tpu.memory_space<vmem>>
      tpu.enqueue_dma source(%dma_start3A_143 : memref<4096xf32, #tpu.memory_space<vmem>>) target(%dma_start3A_140 : memref<4096xf32, #tpu.memory_space<hbm>>) target_semaphore(%arg8 : memref<!tpu.dma_semaphore, #tpu.memory_space<semaphore_mem>>)
      %slice3A_144 = vector.extract_strided_slice %get3A_15 {offsets = [8], sizes = [1], strides = [1]} : vector<16xi32> to vector<1xi32>
      %squeeze3A_145 = vector.extract %slice3A_144[0] : i32 from vector<1xi32>
      %add3A_146 = arith.constant 8 : i32
      %add3A_147 = arith.addi %add3A_18, %add3A_146 : i32
      %dma_start3A_148 = arith.constant 0 : i32
      %dma_start3A_149 = tpu.memref_slice %arg6[%squeeze3A_145, %dma_start3A_148] : memref<2x4096xf32, #tpu.memory_space<vmem>> -> memref<1x4096xf32, #tpu.memory_space<vmem>>
      %dma_start3A_150 = tpu.memref_squeeze %dma_start3A_149 : memref<1x4096xf32, #tpu.memory_space<vmem>> -> memref<4096xf32, #tpu.memory_space<vmem>>
      %dma_start3A_151 = arith.constant 0 : i32
      %dma_start3A_152 = tpu.memref_slice %arg4[%add3A_147, %dma_start3A_151] : memref<32768x4096xf32, #tpu.memory_space<hbm>> -> memref<1x4096xf32, #tpu.memory_space<hbm>>
      %dma_start3A_153 = tpu.memref_squeeze %dma_start3A_152 : memref<1x4096xf32, #tpu.memory_space<hbm>> -> memref<4096xf32, #tpu.memory_space<hbm>>
      %dma_start3A_154 = arith.constant 0 : i32
      %dma_start3A_155 = tpu.memref_slice %arg4[%add3A_147, %dma_start3A_154] : memref<32768x4096xf32, #tpu.memory_space<hbm>> -> memref<1x4096xf32, #tpu.memory_space<hbm>>
      %dma_start3A_156 = tpu.memref_squeeze %dma_start3A_155 : memref<1x4096xf32, #tpu.memory_space<hbm>> -> memref<4096xf32, #tpu.memory_space<hbm>>
      %dma_start3A_157 = arith.constant 0 : i32
      %dma_start3A_158 = tpu.memref_slice %arg6[%squeeze3A_145, %dma_start3A_157] : memref<2x4096xf32, #tpu.memory_space<vmem>> -> memref<1x4096xf32, #tpu.memory_space<vmem>>
      %dma_start3A_159 = tpu.memref_squeeze %dma_start3A_158 : memref<1x4096xf32, #tpu.memory_space<vmem>> -> memref<4096xf32, #tpu.memory_space<vmem>>
      tpu.enqueue_dma source(%dma_start3A_159 : memref<4096xf32, #tpu.memory_space<vmem>>) target(%dma_start3A_156 : memref<4096xf32, #tpu.memory_space<hbm>>) target_semaphore(%arg8 : memref<!tpu.dma_semaphore, #tpu.memory_space<semaphore_mem>>)
      %slice3A_160 = vector.extract_strided_slice %get3A_15 {offsets = [9], sizes = [1], strides = [1]} : vector<16xi32> to vector<1xi32>
      %squeeze3A_161 = vector.extract %slice3A_160[0] : i32 from vector<1xi32>
      %add3A_162 = arith.constant 9 : i32
      %add3A_163 = arith.addi %add3A_18, %add3A_162 : i32
      %dma_start3A_164 = arith.constant 0 : i32
      %dma_start3A_165 = tpu.memref_slice %arg6[%squeeze3A_161, %dma_start3A_164] : memref<2x4096xf32, #tpu.memory_space<vmem>> -> memref<1x4096xf32, #tpu.memory_space<vmem>>
      %dma_start3A_166 = tpu.memref_squeeze %dma_start3A_165 : memref<1x4096xf32, #tpu.memory_space<vmem>> -> memref<4096xf32, #tpu.memory_space<vmem>>
      %dma_start3A_167 = arith.constant 0 : i32
      %dma_start3A_168 = tpu.memref_slice %arg4[%add3A_163, %dma_start3A_167] : memref<32768x4096xf32, #tpu.memory_space<hbm>> -> memref<1x4096xf32, #tpu.memory_space<hbm>>
      %dma_start3A_169 = tpu.memref_squeeze %dma_start3A_168 : memref<1x4096xf32, #tpu.memory_space<hbm>> -> memref<4096xf32, #tpu.memory_space<hbm>>
      %dma_start3A_170 = arith.constant 0 : i32
      %dma_start3A_171 = tpu.memref_slice %arg4[%add3A_163, %dma_start3A_170] : memref<32768x4096xf32, #tpu.memory_space<hbm>> -> memref<1x4096xf32, #tpu.memory_space<hbm>>
      %dma_start3A_172 = tpu.memref_squeeze %dma_start3A_171 : memref<1x4096xf32, #tpu.memory_space<hbm>> -> memref<4096xf32, #tpu.memory_space<hbm>>
      %dma_start3A_173 = arith.constant 0 : i32
      %dma_start3A_174 = tpu.memref_slice %arg6[%squeeze3A_161, %dma_start3A_173] : memref<2x4096xf32, #tpu.memory_space<vmem>> -> memref<1x4096xf32, #tpu.memory_space<vmem>>
      %dma_start3A_175 = tpu.memref_squeeze %dma_start3A_174 : memref<1x4096xf32, #tpu.memory_space<vmem>> -> memref<4096xf32, #tpu.memory_space<vmem>>
      tpu.enqueue_dma source(%dma_start3A_175 : memref<4096xf32, #tpu.memory_space<vmem>>) target(%dma_start3A_172 : memref<4096xf32, #tpu.memory_space<hbm>>) target_semaphore(%arg8 : memref<!tpu.dma_semaphore, #tpu.memory_space<semaphore_mem>>)
      %slice3A_176 = vector.extract_strided_slice %get3A_15 {offsets = [10], sizes = [1], strides = [1]} : vector<16xi32> to vector<1xi32>
      %squeeze3A_177 = vector.extract %slice3A_176[0] : i32 from vector<1xi32>
      %add3A_178 = arith.constant 10 : i32
      %add3A_179 = arith.addi %add3A_18, %add3A_178 : i32
      %dma_start3A_180 = arith.constant 0 : i32
      %dma_start3A_181 = tpu.memref_slice %arg6[%squeeze3A_177, %dma_start3A_180] : memref<2x4096xf32, #tpu.memory_space<vmem>> -> memref<1x4096xf32, #tpu.memory_space<vmem>>
      %dma_start3A_182 = tpu.memref_squeeze %dma_start3A_181 : memref<1x4096xf32, #tpu.memory_space<vmem>> -> memref<4096xf32, #tpu.memory_space<vmem>>
      %dma_start3A_183 = arith.constant 0 : i32
      %dma_start3A_184 = tpu.memref_slice %arg4[%add3A_179, %dma_start3A_183] : memref<32768x4096xf32, #tpu.memory_space<hbm>> -> memref<1x4096xf32, #tpu.memory_space<hbm>>
      %dma_start3A_185 = tpu.memref_squeeze %dma_start3A_184 : memref<1x4096xf32, #tpu.memory_space<hbm>> -> memref<4096xf32, #tpu.memory_space<hbm>>
      %dma_start3A_186 = arith.constant 0 : i32
      %dma_start3A_187 = tpu.memref_slice %arg4[%add3A_179, %dma_start3A_186] : memref<32768x4096xf32, #tpu.memory_space<hbm>> -> memref<1x4096xf32, #tpu.memory_space<hbm>>
      %dma_start3A_188 = tpu.memref_squeeze %dma_start3A_187 : memref<1x4096xf32, #tpu.memory_space<hbm>> -> memref<4096xf32, #tpu.memory_space<hbm>>
      %dma_start3A_189 = arith.constant 0 : i32
      %dma_start3A_190 = tpu.memref_slice %arg6[%squeeze3A_177, %dma_start3A_189] : memref<2x4096xf32, #tpu.memory_space<vmem>> -> memref<1x4096xf32, #tpu.memory_space<vmem>>
      %dma_start3A_191 = tpu.memref_squeeze %dma_start3A_190 : memref<1x4096xf32, #tpu.memory_space<vmem>> -> memref<4096xf32, #tpu.memory_space<vmem>>
      tpu.enqueue_dma source(%dma_start3A_191 : memref<4096xf32, #tpu.memory_space<vmem>>) target(%dma_start3A_188 : memref<4096xf32, #tpu.memory_space<hbm>>) target_semaphore(%arg8 : memref<!tpu.dma_semaphore, #tpu.memory_space<semaphore_mem>>)
      %slice3A_192 = vector.extract_strided_slice %get3A_15 {offsets = [11], sizes = [1], strides = [1]} : vector<16xi32> to vector<1xi32>
      %squeeze3A_193 = vector.extract %slice3A_192[0] : i32 from vector<1xi32>
      %add3A_194 = arith.constant 11 : i32
      %add3A_195 = arith.addi %add3A_18, %add3A_194 : i32
      %dma_start3A_196 = arith.constant 0 : i32
      %dma_start3A_197 = tpu.memref_slice %arg6[%squeeze3A_193, %dma_start3A_196] : memref<2x4096xf32, #tpu.memory_space<vmem>> -> memref<1x4096xf32, #tpu.memory_space<vmem>>
      %dma_start3A_198 = tpu.memref_squeeze %dma_start3A_197 : memref<1x4096xf32, #tpu.memory_space<vmem>> -> memref<4096xf32, #tpu.memory_space<vmem>>
      %dma_start3A_199 = arith.constant 0 : i32
      %dma_start3A_200 = tpu.memref_slice %arg4[%add3A_195, %dma_start3A_199] : memref<32768x4096xf32, #tpu.memory_space<hbm>> -> memref<1x4096xf32, #tpu.memory_space<hbm>>
      %dma_start3A_201 = tpu.memref_squeeze %dma_start3A_200 : memref<1x4096xf32, #tpu.memory_space<hbm>> -> memref<4096xf32, #tpu.memory_space<hbm>>
      %dma_start3A_202 = arith.constant 0 : i32
      %dma_start3A_203 = tpu.memref_slice %arg4[%add3A_195, %dma_start3A_202] : memref<32768x4096xf32, #tpu.memory_space<hbm>> -> memref<1x4096xf32, #tpu.memory_space<hbm>>
      %dma_start3A_204 = tpu.memref_squeeze %dma_start3A_203 : memref<1x4096xf32, #tpu.memory_space<hbm>> -> memref<4096xf32, #tpu.memory_space<hbm>>
      %dma_start3A_205 = arith.constant 0 : i32
      %dma_start3A_206 = tpu.memref_slice %arg6[%squeeze3A_193, %dma_start3A_205] : memref<2x4096xf32, #tpu.memory_space<vmem>> -> memref<1x4096xf32, #tpu.memory_space<vmem>>
      %dma_start3A_207 = tpu.memref_squeeze %dma_start3A_206 : memref<1x4096xf32, #tpu.memory_space<vmem>> -> memref<4096xf32, #tpu.memory_space<vmem>>
      tpu.enqueue_dma source(%dma_start3A_207 : memref<4096xf32, #tpu.memory_space<vmem>>) target(%dma_start3A_204 : memref<4096xf32, #tpu.memory_space<hbm>>) target_semaphore(%arg8 : memref<!tpu.dma_semaphore, #tpu.memory_space<semaphore_mem>>)
      %slice3A_208 = vector.extract_strided_slice %get3A_15 {offsets = [12], sizes = [1], strides = [1]} : vector<16xi32> to vector<1xi32>
      %squeeze3A_209 = vector.extract %slice3A_208[0] : i32 from vector<1xi32>
      %add3A_210 = arith.constant 12 : i32
      %add3A_211 = arith.addi %add3A_18, %add3A_210 : i32
      %dma_start3A_212 = arith.constant 0 : i32
      %dma_start3A_213 = tpu.memref_slice %arg6[%squeeze3A_209, %dma_start3A_212] : memref<2x4096xf32, #tpu.memory_space<vmem>> -> memref<1x4096xf32, #tpu.memory_space<vmem>>
      %dma_start3A_214 = tpu.memref_squeeze %dma_start3A_213 : memref<1x4096xf32, #tpu.memory_space<vmem>> -> memref<4096xf32, #tpu.memory_space<vmem>>
      %dma_start3A_215 = arith.constant 0 : i32
      %dma_start3A_216 = tpu.memref_slice %arg4[%add3A_211, %dma_start3A_215] : memref<32768x4096xf32, #tpu.memory_space<hbm>> -> memref<1x4096xf32, #tpu.memory_space<hbm>>
      %dma_start3A_217 = tpu.memref_squeeze %dma_start3A_216 : memref<1x4096xf32, #tpu.memory_space<hbm>> -> memref<4096xf32, #tpu.memory_space<hbm>>
      %dma_start3A_218 = arith.constant 0 : i32
      %dma_start3A_219 = tpu.memref_slice %arg4[%add3A_211, %dma_start3A_218] : memref<32768x4096xf32, #tpu.memory_space<hbm>> -> memref<1x4096xf32, #tpu.memory_space<hbm>>
      %dma_start3A_220 = tpu.memref_squeeze %dma_start3A_219 : memref<1x4096xf32, #tpu.memory_space<hbm>> -> memref<4096xf32, #tpu.memory_space<hbm>>
      %dma_start3A_221 = arith.constant 0 : i32
      %dma_start3A_222 = tpu.memref_slice %arg6[%squeeze3A_209, %dma_start3A_221] : memref<2x4096xf32, #tpu.memory_space<vmem>> -> memref<1x4096xf32, #tpu.memory_space<vmem>>
      %dma_start3A_223 = tpu.memref_squeeze %dma_start3A_222 : memref<1x4096xf32, #tpu.memory_space<vmem>> -> memref<4096xf32, #tpu.memory_space<vmem>>
      tpu.enqueue_dma source(%dma_start3A_223 : memref<4096xf32, #tpu.memory_space<vmem>>) target(%dma_start3A_220 : memref<4096xf32, #tpu.memory_space<hbm>>) target_semaphore(%arg8 : memref<!tpu.dma_semaphore, #tpu.memory_space<semaphore_mem>>)
      %slice3A_224 = vector.extract_strided_slice %get3A_15 {offsets = [13], sizes = [1], strides = [1]} : vector<16xi32> to vector<1xi32>
      %squeeze3A_225 = vector.extract %slice3A_224[0] : i32 from vector<1xi32>
      %add3A_226 = arith.constant 13 : i32
      %add3A_227 = arith.addi %add3A_18, %add3A_226 : i32
      %dma_start3A_228 = arith.constant 0 : i32
      %dma_start3A_229 = tpu.memref_slice %arg6[%squeeze3A_225, %dma_start3A_228] : memref<2x4096xf32, #tpu.memory_space<vmem>> -> memref<1x4096xf32, #tpu.memory_space<vmem>>
      %dma_start3A_230 = tpu.memref_squeeze %dma_start3A_229 : memref<1x4096xf32, #tpu.memory_space<vmem>> -> memref<4096xf32, #tpu.memory_space<vmem>>
      %dma_start3A_231 = arith.constant 0 : i32
      %dma_start3A_232 = tpu.memref_slice %arg4[%add3A_227, %dma_start3A_231] : memref<32768x4096xf32, #tpu.memory_space<hbm>> -> memref<1x4096xf32, #tpu.memory_space<hbm>>
      %dma_start3A_233 = tpu.memref_squeeze %dma_start3A_232 : memref<1x4096xf32, #tpu.memory_space<hbm>> -> memref<4096xf32, #tpu.memory_space<hbm>>
      %dma_start3A_234 = arith.constant 0 : i32
      %dma_start3A_235 = tpu.memref_slice %arg4[%add3A_227, %dma_start3A_234] : memref<32768x4096xf32, #tpu.memory_space<hbm>> -> memref<1x4096xf32, #tpu.memory_space<hbm>>
      %dma_start3A_236 = tpu.memref_squeeze %dma_start3A_235 : memref<1x4096xf32, #tpu.memory_space<hbm>> -> memref<4096xf32, #tpu.memory_space<hbm>>
      %dma_start3A_237 = arith.constant 0 : i32
      %dma_start3A_238 = tpu.memref_slice %arg6[%squeeze3A_225, %dma_start3A_237] : memref<2x4096xf32, #tpu.memory_space<vmem>> -> memref<1x4096xf32, #tpu.memory_space<vmem>>
      %dma_start3A_239 = tpu.memref_squeeze %dma_start3A_238 : memref<1x4096xf32, #tpu.memory_space<vmem>> -> memref<4096xf32, #tpu.memory_space<vmem>>
      tpu.enqueue_dma source(%dma_start3A_239 : memref<4096xf32, #tpu.memory_space<vmem>>) target(%dma_start3A_236 : memref<4096xf32, #tpu.memory_space<hbm>>) target_semaphore(%arg8 : memref<!tpu.dma_semaphore, #tpu.memory_space<semaphore_mem>>)
      %slice3A_240 = vector.extract_strided_slice %get3A_15 {offsets = [14], sizes = [1], strides = [1]} : vector<16xi32> to vector<1xi32>
      %squeeze3A_241 = vector.extract %slice3A_240[0] : i32 from vector<1xi32>
      %add3A_242 = arith.constant 14 : i32
      %add3A_243 = arith.addi %add3A_18, %add3A_242 : i32
      %dma_start3A_244 = arith.constant 0 : i32
      %dma_start3A_245 = tpu.memref_slice %arg6[%squeeze3A_241, %dma_start3A_244] : memref<2x4096xf32, #tpu.memory_space<vmem>> -> memref<1x4096xf32, #tpu.memory_space<vmem>>
      %dma_start3A_246 = tpu.memref_squeeze %dma_start3A_245 : memref<1x4096xf32, #tpu.memory_space<vmem>> -> memref<4096xf32, #tpu.memory_space<vmem>>
      %dma_start3A_247 = arith.constant 0 : i32
      %dma_start3A_248 = tpu.memref_slice %arg4[%add3A_243, %dma_start3A_247] : memref<32768x4096xf32, #tpu.memory_space<hbm>> -> memref<1x4096xf32, #tpu.memory_space<hbm>>
      %dma_start3A_249 = tpu.memref_squeeze %dma_start3A_248 : memref<1x4096xf32, #tpu.memory_space<hbm>> -> memref<4096xf32, #tpu.memory_space<hbm>>
      %dma_start3A_250 = arith.constant 0 : i32
      %dma_start3A_251 = tpu.memref_slice %arg4[%add3A_243, %dma_start3A_250] : memref<32768x4096xf32, #tpu.memory_space<hbm>> -> memref<1x4096xf32, #tpu.memory_space<hbm>>
      %dma_start3A_252 = tpu.memref_squeeze %dma_start3A_251 : memref<1x4096xf32, #tpu.memory_space<hbm>> -> memref<4096xf32, #tpu.memory_space<hbm>>
      %dma_start3A_253 = arith.constant 0 : i32
      %dma_start3A_254 = tpu.memref_slice %arg6[%squeeze3A_241, %dma_start3A_253] : memref<2x4096xf32, #tpu.memory_space<vmem>> -> memref<1x4096xf32, #tpu.memory_space<vmem>>
      %dma_start3A_255 = tpu.memref_squeeze %dma_start3A_254 : memref<1x4096xf32, #tpu.memory_space<vmem>> -> memref<4096xf32, #tpu.memory_space<vmem>>
      tpu.enqueue_dma source(%dma_start3A_255 : memref<4096xf32, #tpu.memory_space<vmem>>) target(%dma_start3A_252 : memref<4096xf32, #tpu.memory_space<hbm>>) target_semaphore(%arg8 : memref<!tpu.dma_semaphore, #tpu.memory_space<semaphore_mem>>)
      %slice3A_256 = vector.extract_strided_slice %get3A_15 {offsets = [15], sizes = [1], strides = [1]} : vector<16xi32> to vector<1xi32>
      %squeeze3A_257 = vector.extract %slice3A_256[0] : i32 from vector<1xi32>
      %add3A_258 = arith.constant 15 : i32
      %add3A_259 = arith.addi %add3A_18, %add3A_258 : i32
      %dma_start3A_260 = arith.constant 0 : i32
      %dma_start3A_261 = tpu.memref_slice %arg6[%squeeze3A_257, %dma_start3A_260] : memref<2x4096xf32, #tpu.memory_space<vmem>> -> memref<1x4096xf32, #tpu.memory_space<vmem>>
      %dma_start3A_262 = tpu.memref_squeeze %dma_start3A_261 : memref<1x4096xf32, #tpu.memory_space<vmem>> -> memref<4096xf32, #tpu.memory_space<vmem>>
      %dma_start3A_263 = arith.constant 0 : i32
      %dma_start3A_264 = tpu.memref_slice %arg4[%add3A_259, %dma_start3A_263] : memref<32768x4096xf32, #tpu.memory_space<hbm>> -> memref<1x4096xf32, #tpu.memory_space<hbm>>
      %dma_start3A_265 = tpu.memref_squeeze %dma_start3A_264 : memref<1x4096xf32, #tpu.memory_space<hbm>> -> memref<4096xf32, #tpu.memory_space<hbm>>
      %dma_start3A_266 = arith.constant 0 : i32
      %dma_start3A_267 = tpu.memref_slice %arg4[%add3A_259, %dma_start3A_266] : memref<32768x4096xf32, #tpu.memory_space<hbm>> -> memref<1x4096xf32, #tpu.memory_space<hbm>>
      %dma_start3A_268 = tpu.memref_squeeze %dma_start3A_267 : memref<1x4096xf32, #tpu.memory_space<hbm>> -> memref<4096xf32, #tpu.memory_space<hbm>>
      %dma_start3A_269 = arith.constant 0 : i32
      %dma_start3A_270 = tpu.memref_slice %arg6[%squeeze3A_257, %dma_start3A_269] : memref<2x4096xf32, #tpu.memory_space<vmem>> -> memref<1x4096xf32, #tpu.memory_space<vmem>>
      %dma_start3A_271 = tpu.memref_squeeze %dma_start3A_270 : memref<1x4096xf32, #tpu.memory_space<vmem>> -> memref<4096xf32, #tpu.memory_space<vmem>>
      tpu.enqueue_dma source(%dma_start3A_271 : memref<4096xf32, #tpu.memory_space<vmem>>) target(%dma_start3A_268 : memref<4096xf32, #tpu.memory_space<hbm>>) target_semaphore(%arg8 : memref<!tpu.dma_semaphore, #tpu.memory_space<semaphore_mem>>)
      %ge3A = arith.constant 1 : i32
      %ge3A_272 = arith.cmpi sge, %scan3A_11, %ge3A : i32
      %convert_element_type3A = arith.extui %ge3A_272 : i1 to i32
      %cond3A = arith.constant 0 : i32
      %cond3A_273 = arith.cmpi ne, %convert_element_type3A, %cond3A : i32
      scf.if %cond3A_273 {
        %dma_wait3A_274 = arith.constant 0 : i32
        %dma_wait3A_275 = tpu.memref_slice %arg4[%mul3A_2, %dma_wait3A_274] : memref<32768x4096xf32, #tpu.memory_space<hbm>> -> memref<16x4096xf32, #tpu.memory_space<hbm>>
        %dma_wait3A_276 = arith.constant 0 : i32
        %dma_wait3A_277 = tpu.memref_slice %arg4[%mul3A_2, %dma_wait3A_276] : memref<32768x4096xf32, #tpu.memory_space<hbm>> -> memref<16x4096xf32, #tpu.memory_space<hbm>>
        tpu.wait_dma2 semaphore(%arg8 : memref<!tpu.dma_semaphore, #tpu.memory_space<semaphore_mem>>) src(%dma_wait3A_277 : memref<16x4096xf32, #tpu.memory_space<hbm>>) dst(%arg7 : memref<16x4096xf32, #tpu.memory_space<vmem>>)
      } else {
      }
    }
    %scan3A_7 = arith.constant 64 : i32
    %dma_wait3A = arith.constant 0 : i32
    %dma_wait3A_8 = tpu.memref_slice %arg4[%mul3A_2, %dma_wait3A] : memref<32768x4096xf32, #tpu.memory_space<hbm>> -> memref<16x4096xf32, #tpu.memory_space<hbm>>
    %dma_wait3A_9 = arith.constant 0 : i32
    %dma_wait3A_10 = tpu.memref_slice %arg4[%mul3A_2, %dma_wait3A_9] : memref<32768x4096xf32, #tpu.memory_space<hbm>> -> memref<16x4096xf32, #tpu.memory_space<hbm>>
    tpu.wait_dma2 semaphore(%arg8 : memref<!tpu.dma_semaphore, #tpu.memory_space<semaphore_mem>>) src(%dma_wait3A_10 : memref<16x4096xf32, #tpu.memory_space<hbm>>) dst(%arg7 : memref<16x4096xf32, #tpu.memory_space<vmem>>)
    return
  }
}

</mosaic_0001>

<sc_bundles>
// kernel: kernel.3.cloned.1.call-start
scs
__scs_entry_jumppad:
0x0: {  	(pc) =	sbr.rel $0x88, $3  }
0x1: {  	(tag) =	ssettag $0x0;
	lr =	simm.s32 $0x1  }
0x2: {  	[smem:$0x3F9F] =	sst lr;
	_ =	strace $0xD0000000  }
0x3: {  	_ = 	snop  }
0x4: {  	_ = 	snop  }
0x5: {  	_ = 	snop  }
0x6: {  	_ = 	snop  }
0x7: {  	_ = 	snop  }
__scs_overlays_trampoline_lowered:
0x8: {  	[smem:$0x3FAE] =	sst s0  }
0x9: {  	[smem:$0x3FAF] =	sst s1  }
0xa: {  	[smem:$0x3FB0] =	sst s2  }
0xb: {  	[smem:$0x3FB1] =	sst s3  }
0xc: {  	[smem:$0x3FB2] =	sst s4  }
0xd: {  	[smem:$0x3FB3] =	sst s5  }
0xe: {  	[smem:$0x3FB4] =	sst s6  }
0xf: {  	[smem:$0x3FB5] =	sst s7  }
0x10: {  	[smem:$0x3FB6] =	sst s8  }
0x11: {  	[smem:$0x3FB7] =	sst s9;
	s0 =	simm.s32 @!p0 $0x0  }
0x12: {  	s1 =	sld [smem:$0x3F9D];
	s0 =	simm.s32 @p0 $0x1  }
0x13: {  	[smem:$0x3FB8] =	sst s0;
	s0 =	simm.s32 @!p1 $0x0  }
0x14: {  	s2 =	sld [smem:$0x3F9C];
	s0 =	simm.s32 @p1 $0x1  }
0x15: {  	[smem:$0x3FB9] =	sst s0;
	s0 =	simm.s32 @!p2 $0x0  }
0x16: {  	s3 =	sld [smem:$0x3FDB];
	s0 =	simm.s32 @p2 $0x1  }
0x17: {  	s4 =	simm.s32 $0x1BF5;
	[smem:$0x3FBB] =	sst s0  }
0x18: {  	s0 =	sld [smem:$0x3F9E];
	_ =	swait.ge [sflag:s4], $0x0  }
0x19: {  	s7 =	sld [smem:$0x3F9F]  }
0x1a: {  	s8 =	sadd.s32 $0xFFFFE003, lr  }
0x1b: {  	s9 =	sadd.s32 $0xFFFFFEF7, lr;
	s5 =	simm.s32 $0xFFFFFFFF;
	p2 =	slt.u32 s8, $0xFFFFF086  }
0x1c: {  	p1 =	slt.u32 s9, $0xF7A;
	s5 =	simm.s32 @!p2 $0x0  }
0x1d: {  	s5 =	simm.s32 @p1 $0x1;
	p0 =	seq.s32 s7, s2  }
0x1e: {  	s7 =	smul.u32 @!p0 $0xF7A, s2;
	p2 =	seq.s32 @!p0 s5, $0x0  }
0x1f: {  	s9 =	smul.u32 $0xF7A, s1;
	s8 =	simm.s32 @!p0 $0x1BF5;
	p2 =	por !p2, p0  }
0x20: {  	[sflag:s8] =	ssyncset.s32 @!p0 $0xFFFFF086;
	s6 =	sadd.s32 @!p0 s3, s7;
	s7 =	simm.s32 @!p0 $0x108  }
0x21: {  	s3 =	sadd.s32 s3, s9;
	s6 =	sadd.s32 @!p0 $0x88, s6;
	s7 =	simm.s32 @p2 $0x1082  }
0x22: {  	[simem:s7], [sflag:s8] =	dma.local @!p0 [hbm:s6], $0xF7A  }
0x23: {  	s9 =	sor.u32 $0xD0000000, s2;
	s6 =	simm.s32 $0x108;
	_ =	swait.ge @!p0 [sflag:s8], $0x0  }
0x24: {  	s3 =	sadd.s32 $0x88, s3;
	s6 =	simm.s32 @!p1 $0x1082;
	[sflag:s4] =	ssyncset.s32 $0xFFFFF086  }
0x25: {  	[simem:s6], [sflag:s4] =	dma.local [hbm:s3], $0xF7A  }
0x26: {  	[smem:$0x3F9F] =	sst s1;
	(tag) =	ssettag s2;
	_ =	strace s9  }
0x27: {  	s1 =	sld [smem:$0x3FAF]  }
0x28: {  	s2 =	sld [smem:$0x3FB0]  }
0x29: {  	s4 =	sld [smem:$0x3FB2]  }
0x2a: {  	p0 =	seq.s32 s5, $0x0;
	s5 =	sld [smem:$0x3FB3]  }
0x2b: {  	s6 =	sld [smem:$0x3FB4]  }
0x2c: {  	s7 =	sld [smem:$0x3FB5]  }
0x2d: {  	s3 =	simm.s32 $0x108;
	s8 =	sld [smem:$0x3FB6]  }
0x2e: {  	s3 =	simm.s32 @!p0 $0x1082;
	s9 =	sld [smem:$0x3FB7]  }
0x2f: {  	lr =	sadd.s32 s0, s3;
	s0 =	sld [smem:$0x3FAE]  }
0x30: {  	s3 =	sld [smem:$0x3FB1]  }
0x31: {  	[smem:$0x3FBA] =	sst s10  }
0x32: {  	s10 =	sld [smem:$0x3FB8];
	_ =	sdelay $0x3  }
0x33: {  	p0 =	seq.s32 s10, $0x1;
	s10 =	sld [smem:$0x3FBA];
	_ =	sdelay $0x3  }
0x34: {  	[smem:$0x3FBA] =	sst s10  }
0x35: {  	s10 =	sld [smem:$0x3FB9];
	_ =	sdelay $0x3  }
0x36: {  	p1 =	seq.s32 s10, $0x1;
	s10 =	sld [smem:$0x3FBA];
	_ =	sdelay $0x3  }
0x37: {  	[smem:$0x3FBA] =	sst s10  }
0x38: {  	s10 =	sld [smem:$0x3FBB]  }
0x39: {  	_ = 	snop;
	(pc) =	sbr.ind lr, $3  }
0x3a: {  	_ = 	snop  }
0x3b: {  	_ = 	snop  }
0x3c: {  	p2 =	seq.s32 s10, $0x1;
	s10 =	sld [smem:$0x3FBA]  }
0x3d: {  	_ =	shalt  }
0x3e: {  	_ =	shalt  }
0x3f: {  	_ =	shalt  }
0x40: {  	_ =	shalt  }
0x41: {  	_ =	shalt  }
0x42: {  	_ =	shalt  }
0x43: {  	_ =	shalt  }
0x44: {  	_ =	shalt  }
0x45: {  	_ =	shalt  }
0x46: {  	_ =	shalt  }
0x47: {  	_ =	shalt  }
0x48: {  	_ =	shalt  }
0x49: {  	_ =	shalt  }
0x4a: {  	_ =	shalt  }
0x4b: {  	_ =	shalt  }
0x4c: {  	_ =	shalt  }
0x4d: {  	_ =	shalt  }
0x4e: {  	_ =	shalt  }
0x4f: {  	_ =	shalt  }
0x50: {  	_ =	shalt  }
0x51: {  	_ =	shalt  }
0x52: {  	_ =	shalt  }
0x53: {  	_ =	shalt  }
0x54: {  	_ =	shalt  }
0x55: {  	_ =	shalt  }
0x56: {  	_ =	shalt  }
0x57: {  	_ =	shalt  }
0x58: {  	_ =	shalt  }
0x59: {  	_ =	shalt  }
0x5a: {  	_ =	shalt  }
0x5b: {  	_ =	shalt  }
0x5c: {  	_ =	shalt  }
0x5d: {  	_ =	shalt  }
0x5e: {  	_ =	shalt  }
0x5f: {  	_ =	shalt  }
0x60: {  	_ =	shalt  }
0x61: {  	_ =	shalt  }
0x62: {  	_ =	shalt  }
0x63: {  	_ =	shalt  }
0x64: {  	_ =	shalt  }
0x65: {  	_ =	shalt  }
0x66: {  	_ =	shalt  }
0x67: {  	_ =	shalt  }
0x68: {  	_ =	shalt  }
0x69: {  	_ =	shalt  }
0x6a: {  	_ =	shalt  }
0x6b: {  	_ =	shalt  }
0x6c: {  	_ =	shalt  }
0x6d: {  	_ =	shalt  }
0x6e: {  	_ =	shalt  }
0x6f: {  	_ =	shalt  }
0x70: {  	_ =	shalt  }
0x71: {  	_ =	shalt  }
0x72: {  	_ =	shalt  }
0x73: {  	_ =	shalt  }
0x74: {  	_ =	shalt  }
0x75: {  	_ =	shalt  }
0x76: {  	_ =	shalt  }
0x77: {  	_ =	shalt  }
0x78: {  	_ =	shalt  }
0x79: {  	_ =	shalt  }
0x7a: {  	_ =	shalt  }
0x7b: {  	_ =	shalt  }
0x7c: {  	_ =	shalt  }
0x7d: {  	_ =	shalt  }
0x7e: {  	_ =	shalt  }
0x7f: {  	_ =	shalt  }
0x80: {  	_ =	shalt  }
0x81: {  	_ =	shalt  }
0x82: {  	_ =	shalt  }
0x83: {  	_ =	shalt  }
0x84: {  	_ =	shalt  }
0x85: {  	_ =	shalt  }
0x86: {  	_ =	shalt  }
0x87: {  	_ =	shalt  }
.Lfunc_end0:
.L_simem_size_0:
called_computation_lowered:
.L_overlay_start_0:
0x88: {  	s2 =	sld [smem:$0x3FD9]  }
0x89: {  	s3 =	sld [smem:$0x3FFE];
	_ =	sdelay $0x1  }
0x8a: {  	s1 =	srdreg.scid  }
0x8b: {  	s0 =	sand.u32 $0x1, s1  }
0x8c: {  	s17 =	sshll.u32 s0, $0xA;
	s2 =	sadd.s32 s3, s2  }
0x8d: {  	s2 =	sadd.s32 s2, s17  }
0x8e: {  	[smem:$0x3FC6] =	sst s2  }
0x8f: {  	_ = 	snop  }
0x90: {  	s2 =	sld [smem:$0x3FC8]  }
0x91: {  	s18 =	sld [smem:$0x3FD0];
	(tm) =	ssettm $0x1  }
0x92: {  	s4 =	sld [smem:$0x3FFB];
	_ =	sdelay $0x3  }
0x93: {  	_ =	strace s4  }
0x94: {  	s4 =	sld [smem:$0x3FFC];
	_ =	sdelay $0x3  }
0x95: {  	_ =	strace s4  }
0x96: {  	s4 =	sld [smem:$0x3FFD];
	_ =	sdelay $0x3  }
0x97: {  	_ =	strace s4  }
0x98: {  	_ =	strace $0x8FFFFFFF  }
0x99: {  	s19 =	sld [smem:$0x3FDB];
	_ =	sdelay $0x1  }
0x9a: {  	s5 =	simm.s32 $_scs_section_size  }
0x9b: {  	s6 =	simm.s32 $_size__tile_overlayer_lowered;
	s7 =	simm.s32 $_tile_overlayer_lowered  }
0x9c: {  	s22 =	simm.s32 $0x1BFF;
	s21 =	sshll.u32 s7, $0x1;
	s4 =	sadd.s32 s5, s19  }
0x9d: {  	s8 =	simm.s32 $0x0;
	s20 =	sshll.u32 s6, $0x1;
	s6 =	sadd.s32 s21, s4  }
0x9e: {  	[timem:s8], [sflag:s22] =	dma.local [hbm:s6], s20  }
0x9f: {  	_ =	swait.ge [sflag:s22], s20  }
0xa0: {  	s5 =	ssub.s32 $0x0, s20;
	[sflag:s22] =	ssyncset.done $0x0  }
0xa1: {  	[sflag:s22] =	ssyncadd.s32 s5;
	_ =	sdelay $0x1  }
0xa2: {  	s23 =	simm.s32 $0x1B8B  }
0xa3: {  	_ =	swait.ge [sflag:s23], $0x1  }
0xa4: {  	[sflag:s23] =	ssyncset.done $0x0  }
0xa5: {  	s25 =	simm.s32 $0x1B8E;
	s24 =	sld [smem:$0x3FFE];
	[sflag:s23] =	ssyncadd.s32 $0xFFFFFFFF  }
0xa6: {  	s26 =	simm.s32 $execute0_lowered;
	[smem:$0x3FD2] =	sst s25  }
0xa7: {  	s6 =	sshll.u32 s26, $0x1;
	_ =	strace $0x80000046;
	[dreg:$0x1] =	wrdreg $0xFFFFFFFF  }
0xa8: {  	s28 =	simm.s32 $_size_execute0_lowered;
	s4 =	sadd.s32 s4, s6;
	[dreg:$0x0] =	wrdreg $0x0  }
0xa9: {  	s6 =	sshll.u32 s28, $0x1;
	[dreg:$0x2] =	wrdreg s4  }
0xaa: {  	[dreg:$0x3] =	wrdreg s6  }
0xab: {  	[dreg:$0x4] =	wrdreg $0xC0  }
0xac: {  	_ =	task [dreg:s8], $0x5FFFF  }
0xad: {  	[dreg:$0x1] =	wrdreg $0xFFFFFFFF  }
0xae: {  	[dreg:$0x0] =	wrdreg $0x60  }
0xaf: {  	[dreg:$0x2] =	wrdreg s24  }
0xb0: {  	[dreg:$0x3] =	wrdreg s2  }
0xb1: {  	[dreg:$0x4] =	wrdreg s18  }
0xb2: {  	[dreg:$0x5] =	wrdreg $0x9  }
0xb3: {  	_ =	task.clear_ibuf [dreg:s8], $0x6FFFF;
	_ =	strace $0x90000046  }
0xb4: {  	s29 =	simm.s32 $0x9;
	_ =	strace $0x80000048  }
0xb5: {  	_ =	swait.ge [sflag:s29], $0x1  }
0xb6: {  	[sflag:s29] =	ssyncadd.s32 $0xFFFFFFFF  }
0xb7: {  	_ =	strace $0x90000048  }
0xb8: {  	_ =	sfence  }
0xb9: {  	s30 =	sld [smem:$0x0];
	_ =	sdelay $0x2  }
0xba: {  	s31 =	sshll.u32 s1, $0xD;
	s1 =	sshrl.u32 s1, $0x2  }
0xbb: {  	s3 =	sand.u32 $0x4000, s31;
	s1 =	sadd.s32 s1, s30  }
0xbc: {  	s0 =	sor.u32 s3, s0;
	s1 =	sshll.u32 s1, $0x11  }
0xbd: {  	s0 =	sor.u32 s1, s0  }
0xbe: {  	s0 =	sadd.s32 $0x8F2B, s0  }
0xbf: {  	[sflag:s0] =	ssyncadd.remote.s32 $0x1  }
0xc0: {  	_ =	sfence.sel $0xFFFF  }
0xc1: {  	[dreg:$0x0] =	wrdreg $0xFFFFFFFF;
	(pc) =	sbr.abs _section_cstart, $3  }
0xc2: {  	[dreg:$0x1] =	wrdreg $0xFFFFFFFF  }
0xc3: {  	_ =	task.clear_ibuf [dreg:s8], $0x2FFFF;
	_ =	strace $0x9FFFFFFF  }
0xc4: {  	(tm) =	ssettm $0x7FFFFFFF  }
0xc5: {  	_ =	shalt  }
tec
execute0_lowered:
.L_overlay_start_1:
0x0: {  	(tag) =	ssettag $0x1  }
0x1: {  	s0 =	rddreg [dreg:$0x0];
	s1 =	srdreg.scid  }
0x2: {  	s3 =	rddreg [dreg:$0x2];
	s2 =	stileid.u32  }
0x3: {  	s4 =	simm.s32 $0x0;
	s23 =	simm.s32 $0x2;
	s24 =	simm.s32 $0x400  }
0x4: {  	s25 =	simm.s32 $0x1;
	s26 =	simm.s32 $0x0;
	s1 =	sand.u32 $0x1, s1  }
0x5: {  	s2 =	sshll.u32 s2, $0xB;
	[smem:$0x7FF] =	sst s4;
	s7 =	sadd.s32 $0x10, s3  }
0x6: {  	s8 =	sadd.s32 $0x20, s3;
	s9 =	sadd.s32 $0x30, s3;
	s10 =	sadd.s32 $0x40, s3  }
0x7: {  	s11 =	sadd.s32 $0x50, s3;
	s12 =	sadd.s32 $0x60, s3;
	s13 =	sadd.s32 $0x70, s3  }
0x8: {  	s14 =	sadd.s32 $0x1000, s3;
	s15 =	sadd.s32 $0x1010, s3;
	s16 =	sadd.s32 $0x1020, s3  }
0x9: {  	s17 =	sadd.s32 $0x1030, s3;
	s18 =	sadd.s32 $0x1040, s3;
	s5 =	sshll.u32 s1, $0xA  }
0xa: {  	s19 =	sadd.s32 $0x1050, s3;
	s1 =	ssub.s32 $0x2, s1;
	s5 =	sor.u32 s5, s2  }
0xb: {  	s20 =	sadd.s32 $0x1060, s3;
	s6 =	sshrl.u32 s1, $0x1;
	s2 =	sshrl.u32 s5, $0x3  }
0xc: {  	s21 =	sadd.s32 $0x1070, s3;
	s1 =	ssub.s32 s1, s6;
	s0 =	sadd.s32 s2, s0  }
0xd: {  	_ =	strace $0x80000047;
	s22 =	smax.u32 s1, $0x1;
	s6 =	sadd.s32 $0x400, s0  }
.LBB2_1:
0xe: {  	[tilespmem:s4], [sflag:$0x2] =	stream.linear.gather [hbm4b:s6+s4], $0x400, $0x38;
	[tilespmem:$0x2400] =	vst v63  }
0xf: {  	_ =	swait.ge [sflag:s23], $0x400  }
0x10: {  	[sflag:s23] =	ssyncset.done $0x0  }
0x11: {  	[sflag:s23] =	ssyncadd.s32 $0xFFFFFC00  }
0x12: {  	s0 =	rddreg [dreg:$0x1]  }
0x13: {  	[tilespmem:s24], [sflag:$0x2] =	stream.linear.gather [hbm4b:s0+s4], $0x2000, $0x38;
	[tilespmem:$0x2400] =	vst v63  }
0x14: {  	_ =	swait.ge [sflag:s23], $0x2000  }
0x15: {  	[sflag:s23] =	ssyncset.done $0x0  }
0x16: {  	s28 =	simm.s32 $0x0;
	[sflag:s23] =	ssyncadd.s32 $0xFFFFE000  }
.LBB2_2:
0x17: {  	s0 =	sshll.u32 s28, $0x4  }
0x18: {  	v0 =	vld [tilespmem:s0+$0x0];
	_ =	sdelay $0x4  }
0x19: {  	(v2sf) =	vpush v0, $0x0;
	_ =	sdelay $0xe  }
0x1a: {  	s1 =	spop (v2sf)  }
0x1b: {  	s2 =	sshll.u32 s1, $0xC;
	s1 =	sshll.u32 s1, $0x7  }
0x1c: {  	s0 =	sor.u32 s5, s0;
	s2 =	sand.u32 $0xFFFFE000, s2;
	s1 =	sand.u32 $0x80, s1  }
0x1d: {  	s29 =	sshll.u32 s0, $0x9;
	s2 =	sor.u32 s1, s2  }
0x1e: {  	s30 =	sadd.s32 s3, s29;
	s31 =	sor.u32 $0x400, s2  }
0x1f: {  	s0 =	simm.s32 $0x80;
	s2 =	sadd.s32 $0x0, s30;
	s1 =	sadd.s32 $0x100, s31  }
.LBB2_3:
0x20: {  	[hbm4b:s2+s4] =	stream.linear.scatter [tilespmem:s31], [sflag:$0x1], $0x80, $0x38;
	[tilespmem:$0x2400] =	vst v63  }
0x21: {  	s2 =	smov.u32 s0;
	s31 =	smov.u32 s1;
	p0 =	sne.s32 s0, $0xF80  }
.Ltmp0:
0x22: {  	s0 =	sadd.s32 $0x80, s0;
	(pc) =	sbr.rel @p0 .LBB2_3-.Ltmp0, $2  }
0x23: {  	_ =	sdelay $0x2  }
0x24: {  	s1 =	sadd.s32 $0x100, s1;
	s2 =	sadd.s32 s2, s30  }
0x25: {  	(v2sf) =	vpush v0, $0x1;
	_ =	sdelay $0xd  }
0x26: {  	[hbm4b:s2+s4] =	stream.linear.scatter [tilespmem:s31], [sflag:$0x1], $0x80, $0x38;
	[tilespmem:$0x2400] =	vst v63  }
0x27: {  	s0 =	spop (v2sf)  }
0x28: {  	s1 =	sshll.u32 s0, $0xC;
	s0 =	sshll.u32 s0, $0x7  }
0x29: {  	s1 =	sand.u32 $0xFFFFE000, s1;
	s0 =	sand.u32 $0x80, s0  }
0x2a: {  	s0 =	sor.u32 s0, s1  }
0x2b: {  	s30 =	sadd.s32 s29, s7;
	s31 =	sor.u32 $0x400, s0  }
0x2c: {  	s2 =	sadd.s32 $0x0, s30;
	s0 =	simm.s32 $0x80;
	s1 =	sadd.s32 $0x100, s31  }
.LBB2_5:
0x2d: {  	[hbm4b:s2+s4] =	stream.linear.scatter [tilespmem:s31], [sflag:$0x1], $0x80, $0x38;
	[tilespmem:$0x2400] =	vst v63  }
0x2e: {  	s2 =	smov.u32 s0;
	s31 =	smov.u32 s1;
	p0 =	sne.s32 s0, $0xF80  }
.Ltmp1:
0x2f: {  	s0 =	sadd.s32 $0x80, s0;
	(pc) =	sbr.rel @p0 .LBB2_5-.Ltmp1, $2  }
0x30: {  	_ =	sdelay $0x2  }
0x31: {  	s1 =	sadd.s32 $0x100, s1;
	s2 =	sadd.s32 s2, s30  }
0x32: {  	(v2sf) =	vpush v0, $0x2;
	_ =	sdelay $0xd  }
0x33: {  	[hbm4b:s2+s4] =	stream.linear.scatter [tilespmem:s31], [sflag:$0x1], $0x80, $0x38;
	[tilespmem:$0x2400] =	vst v63  }
0x34: {  	s0 =	spop (v2sf)  }
0x35: {  	s1 =	sshll.u32 s0, $0xC;
	s0 =	sshll.u32 s0, $0x7  }
0x36: {  	s1 =	sand.u32 $0xFFFFE000, s1;
	s0 =	sand.u32 $0x80, s0  }
0x37: {  	s0 =	sor.u32 s0, s1  }
0x38: {  	s30 =	sadd.s32 s29, s8;
	s31 =	sor.u32 $0x400, s0  }
0x39: {  	s2 =	sadd.s32 $0x0, s30;
	s0 =	simm.s32 $0x80;
	s1 =	sadd.s32 $0x100, s31  }
.LBB2_7:
0x3a: {  	[hbm4b:s2+s4] =	stream.linear.scatter [tilespmem:s31], [sflag:$0x1], $0x80, $0x38;
	[tilespmem:$0x2400] =	vst v63  }
0x3b: {  	s2 =	smov.u32 s0;
	s31 =	smov.u32 s1;
	p0 =	sne.s32 s0, $0xF80  }
.Ltmp2:
0x3c: {  	s0 =	sadd.s32 $0x80, s0;
	(pc) =	sbr.rel @p0 .LBB2_7-.Ltmp2, $2  }
0x3d: {  	_ =	sdelay $0x2  }
0x3e: {  	s1 =	sadd.s32 $0x100, s1;
	s2 =	sadd.s32 s2, s30  }
0x3f: {  	(v2sf) =	vpush v0, $0x3;
	_ =	sdelay $0xd  }
0x40: {  	[hbm4b:s2+s4] =	stream.linear.scatter [tilespmem:s31], [sflag:$0x1], $0x80, $0x38;
	[tilespmem:$0x2400] =	vst v63  }
0x41: {  	s0 =	spop (v2sf)  }
0x42: {  	s1 =	sshll.u32 s0, $0xC;
	s0 =	sshll.u32 s0, $0x7  }
0x43: {  	s1 =	sand.u32 $0xFFFFE000, s1;
	s0 =	sand.u32 $0x80, s0  }
0x44: {  	s0 =	sor.u32 s0, s1  }
0x45: {  	s30 =	sadd.s32 s29, s9;
	s31 =	sor.u32 $0x400, s0  }
0x46: {  	s2 =	sadd.s32 $0x0, s30;
	s0 =	simm.s32 $0x80;
	s1 =	sadd.s32 $0x100, s31  }
.LBB2_9:
0x47: {  	[hbm4b:s2+s4] =	stream.linear.scatter [tilespmem:s31], [sflag:$0x1], $0x80, $0x38;
	[tilespmem:$0x2400] =	vst v63  }
0x48: {  	s2 =	smov.u32 s0;
	s31 =	smov.u32 s1;
	p0 =	sne.s32 s0, $0xF80  }
.Ltmp3:
0x49: {  	s0 =	sadd.s32 $0x80, s0;
	(pc) =	sbr.rel @p0 .LBB2_9-.Ltmp3, $2  }
0x4a: {  	_ =	sdelay $0x2  }
0x4b: {  	s1 =	sadd.s32 $0x100, s1;
	s2 =	sadd.s32 s2, s30  }
0x4c: {  	(v2sf) =	vpush v0, $0x4;
	_ =	sdelay $0xd  }
0x4d: {  	[hbm4b:s2+s4] =	stream.linear.scatter [tilespmem:s31], [sflag:$0x1], $0x80, $0x38;
	[tilespmem:$0x2400] =	vst v63  }
0x4e: {  	s0 =	spop (v2sf)  }
0x4f: {  	s1 =	sshll.u32 s0, $0xC;
	s0 =	sshll.u32 s0, $0x7  }
0x50: {  	s1 =	sand.u32 $0xFFFFE000, s1;
	s0 =	sand.u32 $0x80, s0  }
0x51: {  	s0 =	sor.u32 s0, s1  }
0x52: {  	s30 =	sadd.s32 s29, s10;
	s31 =	sor.u32 $0x400, s0  }
0x53: {  	s2 =	sadd.s32 $0x0, s30;
	s0 =	simm.s32 $0x80;
	s1 =	sadd.s32 $0x100, s31  }
.LBB2_11:
0x54: {  	[hbm4b:s2+s4] =	stream.linear.scatter [tilespmem:s31], [sflag:$0x1], $0x80, $0x38;
	[tilespmem:$0x2400] =	vst v63  }
0x55: {  	s2 =	smov.u32 s0;
	s31 =	smov.u32 s1;
	p0 =	sne.s32 s0, $0xF80  }
.Ltmp4:
0x56: {  	s0 =	sadd.s32 $0x80, s0;
	(pc) =	sbr.rel @p0 .LBB2_11-.Ltmp4, $2  }
0x57: {  	_ =	sdelay $0x2  }
0x58: {  	s1 =	sadd.s32 $0x100, s1;
	s2 =	sadd.s32 s2, s30  }
0x59: {  	(v2sf) =	vpush v0, $0x5;
	_ =	sdelay $0xd  }
0x5a: {  	[hbm4b:s2+s4] =	stream.linear.scatter [tilespmem:s31], [sflag:$0x1], $0x80, $0x38;
	[tilespmem:$0x2400] =	vst v63  }
0x5b: {  	s0 =	spop (v2sf)  }
0x5c: {  	s1 =	sshll.u32 s0, $0xC;
	s0 =	sshll.u32 s0, $0x7  }
0x5d: {  	s1 =	sand.u32 $0xFFFFE000, s1;
	s0 =	sand.u32 $0x80, s0  }
0x5e: {  	s0 =	sor.u32 s0, s1  }
0x5f: {  	s30 =	sadd.s32 s29, s11;
	s31 =	sor.u32 $0x400, s0  }
0x60: {  	s2 =	sadd.s32 $0x0, s30;
	s0 =	simm.s32 $0x80;
	s1 =	sadd.s32 $0x100, s31  }
.LBB2_13:
0x61: {  	[hbm4b:s2+s4] =	stream.linear.scatter [tilespmem:s31], [sflag:$0x1], $0x80, $0x38;
	[tilespmem:$0x2400] =	vst v63  }
0x62: {  	s2 =	smov.u32 s0;
	s31 =	smov.u32 s1;
	p0 =	sne.s32 s0, $0xF80  }
.Ltmp5:
0x63: {  	s0 =	sadd.s32 $0x80, s0;
	(pc) =	sbr.rel @p0 .LBB2_13-.Ltmp5, $2  }
0x64: {  	_ =	sdelay $0x2  }
0x65: {  	s1 =	sadd.s32 $0x100, s1;
	s2 =	sadd.s32 s2, s30  }
0x66: {  	(v2sf) =	vpush v0, $0x6;
	_ =	sdelay $0xd  }
0x67: {  	[hbm4b:s2+s4] =	stream.linear.scatter [tilespmem:s31], [sflag:$0x1], $0x80, $0x38;
	[tilespmem:$0x2400] =	vst v63  }
0x68: {  	s0 =	spop (v2sf)  }
0x69: {  	s1 =	sshll.u32 s0, $0xC;
	s0 =	sshll.u32 s0, $0x7  }
0x6a: {  	s1 =	sand.u32 $0xFFFFE000, s1;
	s0 =	sand.u32 $0x80, s0  }
0x6b: {  	s0 =	sor.u32 s0, s1  }
0x6c: {  	s30 =	sadd.s32 s29, s12;
	s31 =	sor.u32 $0x400, s0  }
0x6d: {  	s2 =	sadd.s32 $0x0, s30;
	s0 =	simm.s32 $0x80;
	s1 =	sadd.s32 $0x100, s31  }
.LBB2_15:
0x6e: {  	[hbm4b:s2+s4] =	stream.linear.scatter [tilespmem:s31], [sflag:$0x1], $0x80, $0x38;
	[tilespmem:$0x2400] =	vst v63  }
0x6f: {  	s2 =	smov.u32 s0;
	s31 =	smov.u32 s1;
	p0 =	sne.s32 s0, $0xF80  }
.Ltmp6:
0x70: {  	s0 =	sadd.s32 $0x80, s0;
	(pc) =	sbr.rel @p0 .LBB2_15-.Ltmp6, $2  }
0x71: {  	_ =	sdelay $0x2  }
0x72: {  	s1 =	sadd.s32 $0x100, s1;
	s2 =	sadd.s32 s2, s30  }
0x73: {  	(v2sf) =	vpush v0, $0x7;
	_ =	sdelay $0xd  }
0x74: {  	[hbm4b:s2+s4] =	stream.linear.scatter [tilespmem:s31], [sflag:$0x1], $0x80, $0x38;
	[tilespmem:$0x2400] =	vst v63  }
0x75: {  	s0 =	spop (v2sf)  }
0x76: {  	s1 =	sshll.u32 s0, $0xC;
	s0 =	sshll.u32 s0, $0x7  }
0x77: {  	s1 =	sand.u32 $0xFFFFE000, s1;
	s0 =	sand.u32 $0x80, s0  }
0x78: {  	s0 =	sor.u32 s0, s1  }
0x79: {  	s30 =	sadd.s32 s29, s13;
	s31 =	sor.u32 $0x400, s0  }
0x7a: {  	s2 =	sadd.s32 $0x0, s30;
	s0 =	simm.s32 $0x80;
	s1 =	sadd.s32 $0x100, s31  }
.LBB2_17:
0x7b: {  	[hbm4b:s2+s4] =	stream.linear.scatter [tilespmem:s31], [sflag:$0x1], $0x80, $0x38;
	[tilespmem:$0x2400] =	vst v63  }
0x7c: {  	s2 =	smov.u32 s0;
	s31 =	smov.u32 s1;
	p0 =	sne.s32 s0, $0xF80  }
.Ltmp7:
0x7d: {  	s0 =	sadd.s32 $0x80, s0;
	(pc) =	sbr.rel @p0 .LBB2_17-.Ltmp7, $2  }
0x7e: {  	_ =	sdelay $0x2  }
0x7f: {  	s1 =	sadd.s32 $0x100, s1;
	s2 =	sadd.s32 s2, s30  }
0x80: {  	(v2sf) =	vpush v0, $0x8;
	_ =	sdelay $0xd  }
0x81: {  	[hbm4b:s2+s4] =	stream.linear.scatter [tilespmem:s31], [sflag:$0x1], $0x80, $0x38;
	[tilespmem:$0x2400] =	vst v63  }
0x82: {  	s0 =	spop (v2sf)  }
0x83: {  	s1 =	sshll.u32 s0, $0xC;
	s0 =	sshll.u32 s0, $0x7  }
0x84: {  	s1 =	sand.u32 $0xFFFFE000, s1;
	s0 =	sand.u32 $0x80, s0  }
0x85: {  	s0 =	sor.u32 s0, s1  }
0x86: {  	s30 =	sadd.s32 s29, s14;
	s31 =	sor.u32 $0x400, s0  }
0x87: {  	s2 =	sadd.s32 $0x0, s30;
	s0 =	simm.s32 $0x80;
	s1 =	sadd.s32 $0x100, s31  }
.LBB2_19:
0x88: {  	[hbm4b:s2+s4] =	stream.linear.scatter [tilespmem:s31], [sflag:$0x1], $0x80, $0x38;
	[tilespmem:$0x2400] =	vst v63  }
0x89: {  	s2 =	smov.u32 s0;
	s31 =	smov.u32 s1;
	p0 =	sne.s32 s0, $0xF80  }
.Ltmp8:
0x8a: {  	s0 =	sadd.s32 $0x80, s0;
	(pc) =	sbr.rel @p0 .LBB2_19-.Ltmp8, $2  }
0x8b: {  	_ =	sdelay $0x2  }
0x8c: {  	s1 =	sadd.s32 $0x100, s1;
	s2 =	sadd.s32 s2, s30  }
0x8d: {  	(v2sf) =	vpush v0, $0x9;
	_ =	sdelay $0xd  }
0x8e: {  	[hbm4b:s2+s4] =	stream.linear.scatter [tilespmem:s31], [sflag:$0x1], $0x80, $0x38;
	[tilespmem:$0x2400] =	vst v63  }
0x8f: {  	s0 =	spop (v2sf)  }
0x90: {  	s1 =	sshll.u32 s0, $0xC;
	s0 =	sshll.u32 s0, $0x7  }
0x91: {  	s1 =	sand.u32 $0xFFFFE000, s1;
	s0 =	sand.u32 $0x80, s0  }
0x92: {  	s0 =	sor.u32 s0, s1  }
0x93: {  	s30 =	sadd.s32 s29, s15;
	s31 =	sor.u32 $0x400, s0  }
0x94: {  	s2 =	sadd.s32 $0x0, s30;
	s0 =	simm.s32 $0x80;
	s1 =	sadd.s32 $0x100, s31  }
.LBB2_21:
0x95: {  	[hbm4b:s2+s4] =	stream.linear.scatter [tilespmem:s31], [sflag:$0x1], $0x80, $0x38;
	[tilespmem:$0x2400] =	vst v63  }
0x96: {  	s2 =	smov.u32 s0;
	s31 =	smov.u32 s1;
	p0 =	sne.s32 s0, $0xF80  }
.Ltmp9:
0x97: {  	s0 =	sadd.s32 $0x80, s0;
	(pc) =	sbr.rel @p0 .LBB2_21-.Ltmp9, $2  }
0x98: {  	_ =	sdelay $0x2  }
0x99: {  	s1 =	sadd.s32 $0x100, s1;
	s2 =	sadd.s32 s2, s30  }
0x9a: {  	(v2sf) =	vpush v0, $0xA;
	_ =	sdelay $0xd  }
0x9b: {  	[hbm4b:s2+s4] =	stream.linear.scatter [tilespmem:s31], [sflag:$0x1], $0x80, $0x38;
	[tilespmem:$0x2400] =	vst v63  }
0x9c: {  	s0 =	spop (v2sf)  }
0x9d: {  	s1 =	sshll.u32 s0, $0xC;
	s0 =	sshll.u32 s0, $0x7  }
0x9e: {  	s1 =	sand.u32 $0xFFFFE000, s1;
	s0 =	sand.u32 $0x80, s0  }
0x9f: {  	s0 =	sor.u32 s0, s1  }
0xa0: {  	s30 =	sadd.s32 s29, s16;
	s31 =	sor.u32 $0x400, s0  }
0xa1: {  	s2 =	sadd.s32 $0x0, s30;
	s0 =	simm.s32 $0x80;
	s1 =	sadd.s32 $0x100, s31  }
.LBB2_23:
0xa2: {  	[hbm4b:s2+s4] =	stream.linear.scatter [tilespmem:s31], [sflag:$0x1], $0x80, $0x38;
	[tilespmem:$0x2400] =	vst v63  }
0xa3: {  	s2 =	smov.u32 s0;
	s31 =	smov.u32 s1;
	p0 =	sne.s32 s0, $0xF80  }
.Ltmp10:
0xa4: {  	s0 =	sadd.s32 $0x80, s0;
	(pc) =	sbr.rel @p0 .LBB2_23-.Ltmp10, $2  }
0xa5: {  	_ =	sdelay $0x2  }
0xa6: {  	s1 =	sadd.s32 $0x100, s1;
	s2 =	sadd.s32 s2, s30  }
0xa7: {  	(v2sf) =	vpush v0, $0xB;
	_ =	sdelay $0xd  }
0xa8: {  	[hbm4b:s2+s4] =	stream.linear.scatter [tilespmem:s31], [sflag:$0x1], $0x80, $0x38;
	[tilespmem:$0x2400] =	vst v63  }
0xa9: {  	s0 =	spop (v2sf)  }
0xaa: {  	s1 =	sshll.u32 s0, $0xC;
	s0 =	sshll.u32 s0, $0x7  }
0xab: {  	s1 =	sand.u32 $0xFFFFE000, s1;
	s0 =	sand.u32 $0x80, s0  }
0xac: {  	s0 =	sor.u32 s0, s1  }
0xad: {  	s30 =	sadd.s32 s29, s17;
	s31 =	sor.u32 $0x400, s0  }
0xae: {  	s2 =	sadd.s32 $0x0, s30;
	s0 =	simm.s32 $0x80;
	s1 =	sadd.s32 $0x100, s31  }
.LBB2_25:
0xaf: {  	[hbm4b:s2+s4] =	stream.linear.scatter [tilespmem:s31], [sflag:$0x1], $0x80, $0x38;
	[tilespmem:$0x2400] =	vst v63  }
0xb0: {  	s2 =	smov.u32 s0;
	s31 =	smov.u32 s1;
	p0 =	sne.s32 s0, $0xF80  }
.Ltmp11:
0xb1: {  	s0 =	sadd.s32 $0x80, s0;
	(pc) =	sbr.rel @p0 .LBB2_25-.Ltmp11, $2  }
0xb2: {  	_ =	sdelay $0x2  }
0xb3: {  	s1 =	sadd.s32 $0x100, s1;
	s2 =	sadd.s32 s2, s30  }
0xb4: {  	(v2sf) =	vpush v0, $0xC;
	_ =	sdelay $0xd  }
0xb5: {  	[hbm4b:s2+s4] =	stream.linear.scatter [tilespmem:s31], [sflag:$0x1], $0x80, $0x38;
	[tilespmem:$0x2400] =	vst v63  }
0xb6: {  	s0 =	spop (v2sf)  }
0xb7: {  	s1 =	sshll.u32 s0, $0xC;
	s0 =	sshll.u32 s0, $0x7  }
0xb8: {  	s1 =	sand.u32 $0xFFFFE000, s1;
	s0 =	sand.u32 $0x80, s0  }
0xb9: {  	s0 =	sor.u32 s0, s1  }
0xba: {  	s30 =	sadd.s32 s29, s18;
	s31 =	sor.u32 $0x400, s0  }
0xbb: {  	s2 =	sadd.s32 $0x0, s30;
	s0 =	simm.s32 $0x80;
	s1 =	sadd.s32 $0x100, s31  }
.LBB2_27:
0xbc: {  	[hbm4b:s2+s4] =	stream.linear.scatter [tilespmem:s31], [sflag:$0x1], $0x80, $0x38;
	[tilespmem:$0x2400] =	vst v63  }
0xbd: {  	s2 =	smov.u32 s0;
	s31 =	smov.u32 s1;
	p0 =	sne.s32 s0, $0xF80  }
.Ltmp12:
0xbe: {  	s0 =	sadd.s32 $0x80, s0;
	(pc) =	sbr.rel @p0 .LBB2_27-.Ltmp12, $2  }
0xbf: {  	_ =	sdelay $0x2  }
0xc0: {  	s1 =	sadd.s32 $0x100, s1;
	s2 =	sadd.s32 s2, s30  }
0xc1: {  	(v2sf) =	vpush v0, $0xD;
	_ =	sdelay $0xd  }
0xc2: {  	[hbm4b:s2+s4] =	stream.linear.scatter [tilespmem:s31], [sflag:$0x1], $0x80, $0x38;
	[tilespmem:$0x2400] =	vst v63  }
0xc3: {  	s0 =	spop (v2sf)  }
0xc4: {  	s1 =	sshll.u32 s0, $0xC;
	s0 =	sshll.u32 s0, $0x7  }
0xc5: {  	s1 =	sand.u32 $0xFFFFE000, s1;
	s0 =	sand.u32 $0x80, s0  }
0xc6: {  	s0 =	sor.u32 s0, s1  }
0xc7: {  	s30 =	sadd.s32 s29, s19;
	s31 =	sor.u32 $0x400, s0  }
0xc8: {  	s2 =	sadd.s32 $0x0, s30;
	s0 =	simm.s32 $0x80;
	s1 =	sadd.s32 $0x100, s31  }
.LBB2_29:
0xc9: {  	[hbm4b:s2+s4] =	stream.linear.scatter [tilespmem:s31], [sflag:$0x1], $0x80, $0x38;
	[tilespmem:$0x2400] =	vst v63  }
0xca: {  	s2 =	smov.u32 s0;
	s31 =	smov.u32 s1;
	p0 =	sne.s32 s0, $0xF80  }
.Ltmp13:
0xcb: {  	s0 =	sadd.s32 $0x80, s0;
	(pc) =	sbr.rel @p0 .LBB2_29-.Ltmp13, $2  }
0xcc: {  	_ =	sdelay $0x2  }
0xcd: {  	s1 =	sadd.s32 $0x100, s1;
	s2 =	sadd.s32 s2, s30  }
0xce: {  	(v2sf) =	vpush v0, $0xE;
	_ =	sdelay $0xd  }
0xcf: {  	[hbm4b:s2+s4] =	stream.linear.scatter [tilespmem:s31], [sflag:$0x1], $0x80, $0x38;
	[tilespmem:$0x2400] =	vst v63  }
0xd0: {  	s0 =	spop (v2sf)  }
0xd1: {  	s1 =	sshll.u32 s0, $0xC;
	s0 =	sshll.u32 s0, $0x7  }
0xd2: {  	s1 =	sand.u32 $0xFFFFE000, s1;
	s0 =	sand.u32 $0x80, s0  }
0xd3: {  	s0 =	sor.u32 s0, s1  }
0xd4: {  	s30 =	sadd.s32 s29, s20;
	s31 =	sor.u32 $0x400, s0  }
0xd5: {  	s2 =	sadd.s32 $0x0, s30;
	s0 =	simm.s32 $0x80;
	s1 =	sadd.s32 $0x100, s31  }
.LBB2_31:
0xd6: {  	[hbm4b:s2+s4] =	stream.linear.scatter [tilespmem:s31], [sflag:$0x1], $0x80, $0x38;
	[tilespmem:$0x2400] =	vst v63  }
0xd7: {  	s2 =	smov.u32 s0;
	s31 =	smov.u32 s1;
	p0 =	sne.s32 s0, $0xF80  }
.Ltmp14:
0xd8: {  	s0 =	sadd.s32 $0x80, s0;
	(pc) =	sbr.rel @p0 .LBB2_31-.Ltmp14, $2  }
0xd9: {  	_ =	sdelay $0x2  }
0xda: {  	s1 =	sadd.s32 $0x100, s1;
	s2 =	sadd.s32 s2, s30  }
0xdb: {  	(v2sf) =	vpush v0, $0xF;
	_ =	sdelay $0xd  }
0xdc: {  	[hbm4b:s2+s4] =	stream.linear.scatter [tilespmem:s31], [sflag:$0x1], $0x80, $0x38;
	[tilespmem:$0x2400] =	vst v63  }
0xdd: {  	s0 =	spop (v2sf)  }
0xde: {  	s1 =	sshll.u32 s0, $0xC;
	s0 =	sshll.u32 s0, $0x7  }
0xdf: {  	s1 =	sand.u32 $0xFFFFE000, s1;
	s0 =	sand.u32 $0x80, s0  }
0xe0: {  	s0 =	sor.u32 s0, s1  }
0xe1: {  	s29 =	sadd.s32 s29, s21;
	s30 =	sor.u32 $0x400, s0  }
0xe2: {  	s2 =	sadd.s32 $0x0, s29;
	s0 =	simm.s32 $0x80;
	s1 =	sadd.s32 $0x100, s30  }
.LBB2_33:
0xe3: {  	[hbm4b:s2+s4] =	stream.linear.scatter [tilespmem:s30], [sflag:$0x1], $0x80, $0x38;
	[tilespmem:$0x2400] =	vst v63  }
0xe4: {  	s2 =	smov.u32 s0;
	s30 =	smov.u32 s1;
	p0 =	sne.s32 s0, $0xF80  }
.Ltmp15:
0xe5: {  	s0 =	sadd.s32 $0x80, s0;
	(pc) =	sbr.rel @p0 .LBB2_33-.Ltmp15, $2  }
0xe6: {  	_ =	sdelay $0x2  }
0xe7: {  	s1 =	sadd.s32 $0x100, s1;
	s2 =	sadd.s32 s2, s29  }
0xe8: {  	[hbm4b:s2+s4] =	stream.linear.scatter [tilespmem:s30], [sflag:$0x1], $0x80, $0x38;
	[tilespmem:$0x2400] =	vst v63  }
0xe9: {  	p0 =	seq.s32 s28, $0x0;
	s28 =	sadd.s32 $0x1, s28  }
0xea: {  	p1 =	sne.s32 s28, $0x40  }
.Ltmp16:
0xeb: {  	_ = 	snop;
	(pc) =	sbr.rel @p1 .LBB2_2-.Ltmp16, $4  }
0xec: {  	s0 =	simm.s32 @!p0 $0x1  }
0xed: {  	_ =	swait.ge @!p0 [sflag:s0], $0x10000  }
0xee: {  	[sflag:s0] =	ssyncset.done @!p0 $0x0  }
0xef: {  	[sflag:s0] =	ssyncadd.s32 @!p0 $0xFFFF0000  }
0xf0: {  	s26 =	sadd.s32 $0x1, s26  }
0xf1: {  	p0 =	sne.s32 s26, s22  }
.Ltmp17:
0xf2: {  	_ = 	snop;
	(pc) =	sbr.rel @p0 .LBB2_1-.Ltmp17, $4  }
0xf3: {  	_ = 	snop  }
0xf4: {  	_ =	swait.ge [sflag:s25], $0x10000  }
0xf5: {  	[sflag:s25] =	ssyncset.done $0x0  }
0xf6: {  	[sflag:s25] =	ssyncadd.s32 $0xFFFF0000  }
0xf7: {  	_ =	sfence.sel $0x180000  }
0xf8: {  	[bflag:$0x0] =	sbarrier.arrive $0xFFFF  }
0xf9: {  	_ =	strace $0x90000047  }
0xfa: {  	s0 =	stileid.u32;
	[bflag:$0x2] =	sbarrier.arrive $0xFFFF  }
0xfb: {  	p0 =	sne.s32 s0, $0x0;
	s0 =	rddreg [dreg:$0x3]  }
0xfc: {  	s0 =	sadd.s32 @!p0 $0x100000, s0  }
0xfd: {  	[sflag:s0] =	ssyncadd.tile.s32 @!p0 $0x1;
	_ =	shalt  }
.Lfunc_end2:
_tile_overlayer_lowered:
.L_overlay_start_2:
0xfe: {  	(tag) =	ssettag $0x2  }
0xff: {  	s0 =	rddreg [dreg:$0x0];
	s2 =	stileid.u32  }
0x100: {  	s1 =	rddreg [dreg:$0x1];
	p0 =	sne.s32 s2, $0x0  }
0x101: {  	s3 =	rddreg [dreg:$0x2];
	[bflag:$0x3] =	sbarrier.arrive $0xFFFF;
	s2 =	simm.s32 @!p0 $0x1C02  }
0x102: {  	[timem:s3], [sflag:s2] =	dma.local @!p0 [hbm:s0], s1  }
0x103: {  	s0 =	simm.s32 @!p0 $0x2  }
0x104: {  	_ =	swait.ge @!p0 [sflag:s0], s1  }
0x105: {  	s1 =	ssub.s32 @!p0 $0x0, s1;
	[sflag:s0] =	ssyncset.done @!p0 $0x0  }
0x106: {  	[sflag:s0] =	ssyncadd.s32 @!p0 s1  }
0x107: {  	[bflag:$0x3] =	sbarrier.arrive $0xFFFF  }
0x108: {  	_ =	shalt  }

</sc_bundles>
